<compile_context>
chip_gen: v7x
topology: tpu7x:2x2x1
jax: 0.10.2.dev20260603
libtpu: 0.0.44.dev20260713+nightly
codegen_flags: <defaults>
</compile_context>

<pallas_src>
import functools

import jax
import jax.numpy as jnp
from jax import lax
from jax.experimental import pallas as pl
from jax.experimental.pallas import tpu as pltpu
from jax.experimental.pallas import tpu_sc as plsc

N = 10000
NPAD = 10240
E = 160000
NC = 2
NS = 16
L = 16

EPT = E // NS
CH = 80
NCHUNK = EPT // CH
RPT = NPAD // NS

EPTD = E // NC // NS
CHD = 125
NCHD = EPTD // CHD
CH2 = 125
NCH2 = EPTD // CH2

_MESH = plsc.VectorSubcoreMesh(core_axis_name="c", subcore_axis_name="s")


def _make_deg():
  @functools.partial(
      pl.kernel,
      out_type=jax.ShapeDtypeStruct((NC, NPAD, 128), jnp.float32),
      mesh=_MESH,
      scratch_types=[
          pltpu.VMEM_SHARED((NPAD, 128), jnp.float32),
          pltpu.VMEM((CHD, 128), jnp.float32),
          pltpu.VMEM((NCHD, CHD), jnp.int32),
          pltpu.SemaphoreType.DMA,
      ],
  )
  def deg_kernel(dst4, ones_hbm, zer_hbm, out, d_sh, ones_v, dst_v, sem):
    c = lax.axis_index("c")
    s = lax.axis_index("s")

    pltpu.sync_copy(zer_hbm, d_sh.at[pl.ds(s * RPT, RPT)])
    pltpu.sync_copy(ones_hbm, ones_v)
    pltpu.sync_copy(dst4.at[c, s], dst_v)
    plsc.subcore_barrier()

    def fire(j, carry):
      pltpu.async_copy(ones_v, d_sh.at[dst_v.at[j]], sem, add=True)
      return carry

    lax.fori_loop(0, NCHD, fire, 0)

    def drain(j, carry):
      pltpu.make_async_copy(ones_v, d_sh.at[dst_v.at[j]], sem).wait()
      return carry

    lax.fori_loop(0, NCHD, drain, 0)
    plsc.subcore_barrier()
    pltpu.sync_copy(d_sh.at[pl.ds(s * RPT, RPT)],
                    out.at[c, pl.ds(s * RPT, RPT)])

  return deg_kernel


def _pipelined_chunks(h, s_sh, src_row, dst_v, nchunk,
                      g0, g1, sg0, sg1, ss0, ss1):
  bufs = ((g0, sg0, ss0), (g1, sg1, ss1))

  pltpu.async_copy(h.at[src_row(0)], g0, sg0)

  def pair(p, carry):
    j0 = 2 * p
    for b in range(2):
      j = j0 + b
      g, sg, ss = bufs[b]
      go, sgo, sso = bufs[1 - b]

      @pl.when(j < nchunk)
      def _():
        pltpu.make_async_copy(h.at[src_row(j)], g, sg).wait()

        @pl.when(j + 1 < nchunk)
        def _():
          @pl.when(j >= 1)
          def _():
            pltpu.make_async_copy(go, s_sh.at[dst_v.at[j - 1]], sso).wait()

          pltpu.async_copy(h.at[src_row(j + 1)], go, sgo)

        pltpu.async_copy(g, s_sh.at[dst_v.at[j]], ss, add=True)
    return carry

  lax.fori_loop(0, (nchunk + 1) // 2, pair, 0)

  last = nchunk - 1
  gl, _, ssl = bufs[last % 2]
  pltpu.make_async_copy(gl, s_sh.at[dst_v.at[last]], ssl).wait()
  if nchunk >= 2:
    gp, _, ssp = bufs[(last - 1) % 2]
    pltpu.make_async_copy(gp, s_sh.at[dst_v.at[last - 1]], ssp).wait()


def _make_agg_feat():

  @functools.partial(
      pl.kernel,
      out_type=jax.ShapeDtypeStruct((NC, NPAD, 128), jnp.float32),
      mesh=_MESH,
      scratch_types=[
          pltpu.VMEM_SHARED((NPAD, 128), jnp.float32),
          pltpu.VMEM((EPT,), jnp.int32),
          pltpu.VMEM((NCHUNK, CH), jnp.int32),
          pltpu.VMEM((CH, 128), jnp.float32),
          pltpu.VMEM((CH, 128), jnp.float32),
          pltpu.SemaphoreType.DMA,
          pltpu.SemaphoreType.DMA,
          pltpu.SemaphoreType.DMA,
          pltpu.SemaphoreType.DMA,
      ],
  )
  def agg_kernel(h0, h1, src2, dst3, zer_hbm, out,
                 s_sh, src_v, dst_v, g0, g1, sg0, sg1, ss0, ss1):
    c = lax.axis_index("c")
    s = lax.axis_index("s")

    pltpu.sync_copy(zer_hbm, s_sh.at[pl.ds(s * RPT, RPT)])
    pltpu.sync_copy(src2.at[s], src_v)
    pltpu.sync_copy(dst3.at[s], dst_v)
    plsc.subcore_barrier()

    def src_row(j):
      return src_v.at[pl.ds(j * CH, CH)]

    @pl.when(c == 0)
    def _():
      _pipelined_chunks(h0, s_sh, src_row, dst_v, NCHUNK,
                        g0, g1, sg0, sg1, ss0, ss1)

    @pl.when(c == 1)
    def _():
      _pipelined_chunks(h1, s_sh, src_row, dst_v, NCHUNK,
                        g0, g1, sg0, sg1, ss0, ss1)

    plsc.subcore_barrier()
    pltpu.sync_copy(s_sh.at[pl.ds(s * RPT, RPT)],
                    out.at[c, pl.ds(s * RPT, RPT)])

  return agg_kernel


def _make_agg_edge():

  @functools.partial(
      pl.kernel,
      out_type=jax.ShapeDtypeStruct((NC, NPAD, 128), jnp.float32),
      mesh=_MESH,
      scratch_types=[
          pltpu.VMEM_SHARED((NPAD, 128), jnp.float32),
          pltpu.VMEM((NCH2, CH2), jnp.int32),
          pltpu.VMEM((NCH2, CH2), jnp.int32),
          pltpu.VMEM((CH2, 128), jnp.float32),
          pltpu.VMEM((CH2, 128), jnp.float32),
          pltpu.SemaphoreType.DMA,
          pltpu.SemaphoreType.DMA,
          pltpu.SemaphoreType.DMA,
          pltpu.SemaphoreType.DMA,
      ],
  )
  def agg_kernel(h, src4, dst4, zer_hbm, out,
                 s_sh, src_v, dst_v, g0, g1, sg0, sg1, ss0, ss1):
    c = lax.axis_index("c")
    s = lax.axis_index("s")

    pltpu.sync_copy(zer_hbm, s_sh.at[pl.ds(s * RPT, RPT)])
    pltpu.sync_copy(src4.at[c, s], src_v)
    pltpu.sync_copy(dst4.at[c, s], dst_v)
    plsc.subcore_barrier()

    def src_row(j):
      return src_v.at[j]

    _pipelined_chunks(h, s_sh, src_row, dst_v, NCH2,
                      g0, g1, sg0, sg1, ss0, ss1)
    plsc.subcore_barrier()
    pltpu.sync_copy(s_sh.at[pl.ds(s * RPT, RPT)],
                    out.at[c, pl.ds(s * RPT, RPT)])

  return agg_kernel


_deg = _make_deg()
_agg128 = _make_agg_feat()
_agg2 = _make_agg_edge()



_R = 1000


def _dinv_of(dg):
  return lax.rsqrt(dg[0, :, 0:1] + dg[1, :, 0:1] + 1.0)


def _tc1_body(x_ref, w_ref, dg_ref, o_ref, dv_ref):
  dinv = _dinv_of(dg_ref[...])
  p = jnp.dot(x_ref[...], w_ref[...], preferred_element_type=jnp.float32)
  o_ref[...] = (p * dinv)[None]
  dv_ref[...] = jnp.broadcast_to(dinv, (_R, 8))


def _tc1(x, W1, degs):
  return pl.pallas_call(
      _tc1_body,
      grid=(NC, N // _R),
      in_specs=[
          pl.BlockSpec((_R, 256), lambda c, r: (r, 0)),
          pl.BlockSpec((256, 128), lambda c, r: (0, c)),
          pl.BlockSpec((2, _R, 128), lambda c, r: (0, r, 0)),
      ],
      out_specs=[
          pl.BlockSpec((1, _R, 128), lambda c, r: (c, r, 0)),
          pl.BlockSpec((_R, 8), lambda c, r: (r, 0)),
      ],
      out_shape=[
          jax.ShapeDtypeStruct((NC, N, 128), jnp.float32),
          jax.ShapeDtypeStruct((N, 8), jnp.float32),
      ],
  )(x, W1, degs)


def _tc2_body(s1_ref, h1_ref, dv_ref, b1_ref, w2_ref, o_ref):
  dinv = dv_ref[:, 0:1]
  zl = jnp.maximum((s1_ref[0] + h1_ref[0]) * dinv + b1_ref[0:1, 0:128], 0.0)
  zh = jnp.maximum((s1_ref[1] + h1_ref[1]) * dinv + b1_ref[0:1, 128:256], 0.0)
  z = jnp.concatenate([zl, zh], axis=1)
  h2 = jnp.dot(z, w2_ref[...], preferred_element_type=jnp.float32)
  o_ref[...] = jnp.concatenate(
      [h2 * dinv, jnp.zeros((_R, 64), jnp.float32)], axis=1)


def _tc2(s1, h1s, dinv8, b1, W2):
  return pl.pallas_call(
      _tc2_body,
      grid=(N // _R,),
      in_specs=[
          pl.BlockSpec((2, _R, 128), lambda r: (0, r, 0)),
          pl.BlockSpec((2, _R, 128), lambda r: (0, r, 0)),
          pl.BlockSpec((_R, 8), lambda r: (r, 0)),
          pl.BlockSpec((1, 256), lambda r: (0, 0)),
          pl.BlockSpec((256, 64), lambda r: (0, 0)),
      ],
      out_specs=pl.BlockSpec((_R, 128), lambda r: (r, 0)),
      out_shape=jax.ShapeDtypeStruct((N, 128), jnp.float32),
  )(s1, h1s, dinv8, b1, W2)


def _tc3_body(s2_ref, h2_ref, dv_ref, b2_ref, o_ref):
  dinv = dv_ref[:, 0:1]
  f = (s2_ref[0] + s2_ref[1] + h2_ref[...])[:, 0:64]
  v = f * dinv + b2_ref[0:1, :]
  m = jnp.max(v, axis=1, keepdims=True)
  lse = jnp.log(jnp.sum(jnp.exp(v - m), axis=1, keepdims=True)) + m
  o_ref[...] = v - lse


def _tc3(s2, h2p, dinv8, b2):
  return pl.pallas_call(
      _tc3_body,
      grid=(N // _R,),
      in_specs=[
          pl.BlockSpec((2, _R, 128), lambda r: (0, r, 0)),
          pl.BlockSpec((_R, 128), lambda r: (r, 0)),
          pl.BlockSpec((_R, 8), lambda r: (r, 0)),
          pl.BlockSpec((1, 64), lambda r: (0, 0)),
      ],
      out_specs=pl.BlockSpec((_R, 64), lambda r: (r, 0)),
      out_shape=jax.ShapeDtypeStruct((N, 64), jnp.float32),
  )(s2, h2p, dinv8, b2)


def kernel(x, edge_index, W1, b1, W2, b2):
  src = edge_index[0].astype(jnp.int32)
  dst = edge_index[1].astype(jnp.int32)
  src2 = src.reshape(NS, EPT)
  dst3 = dst.reshape(NS, NCHUNK, CH)
  srcD = src.reshape(NC, NS, NCH2, CH2)
  dstD = dst.reshape(NC, NS, NCH2, CH2)
  dstH = dst.reshape(NC, NS, NCHD, CHD)

  ones128 = jnp.ones((CHD, 128), jnp.float32)
  zer128 = jnp.zeros((RPT, 128), jnp.float32)

  degs = _deg(dstH, ones128, zer128)
  h1s, dinv8 = _tc1(x, W1, degs)
  s1 = _agg128(h1s[0], h1s[1], src2, dst3, zer128)
  h2p = _tc2(s1, h1s, dinv8, b1.reshape(1, 256), W2)
  s2 = _agg2(h2p, srcD, dstD, zer128)
  return _tc3(s2, h2p, dinv8, b2.reshape(1, 64))

# --- scband reference (transcript-rebuilt; emitter-appended) ---
"""Pipeline reference for scband-gcn-53790170415164 (READ-ONLY COPY).

The authoritative reference and input builder live on the scoring server;
editing this copy changes nothing except your own understanding.
"""

import jax, jax.numpy as jnp
import numpy as np

N_NODES = 10000
N_EDGES = 160000
D_IN = 256
D_HID = 256
D_OUT = 64


def setup_inputs(seed: int = 0) -> dict:
    key = jax.random.key(seed)
    k1, k2, k3, k4, k5, k6 = jax.random.split(key, 6)
    x = jax.random.normal(k1, (N_NODES, D_IN), dtype=jnp.float32)
    edge_index = jax.random.randint(k2, (2, N_EDGES), 0, N_NODES, dtype=jnp.int64)
    s1 = 1.0 / np.sqrt(D_IN)
    s2 = 1.0 / np.sqrt(D_HID)
    W1 = jax.random.uniform(k3, (D_IN, D_HID), dtype=jnp.float32, minval=-s1, maxval=s1)
    b1 = jax.random.uniform(k4, (D_HID,), dtype=jnp.float32, minval=-s1, maxval=s1)
    W2 = jax.random.uniform(k5, (D_HID, D_OUT), dtype=jnp.float32, minval=-s2, maxval=s2)
    b2 = jax.random.uniform(k6, (D_OUT,), dtype=jnp.float32, minval=-s2, maxval=s2)
    return {"x": x, "edge_index": edge_index, "W1": W1, "b1": b1, "W2": W2, "b2": b2}


def _gcn_conv(x, src, dst, W, b, num_nodes):
    # symmetric normalization with self-loops: D^{-1/2} (A + I) D^{-1/2} X W + b
    loop = jnp.arange(num_nodes, dtype=src.dtype)
    src = jnp.concatenate([src, loop])
    dst = jnp.concatenate([dst, loop])
    deg = jnp.zeros((num_nodes,), dtype=x.dtype).at[dst].add(1.0)
    dinv = jnp.where(deg > 0, 1.0 / jnp.sqrt(deg), 0.0)
    norm = dinv[src] * dinv[dst]
    h = x @ W
    msg = h[src] * norm[:, None]
    out = jnp.zeros((num_nodes, W.shape[1]), dtype=x.dtype).at[dst].add(msg)
    return out + b


def reference(x, edge_index, W1, b1, W2, b2):
    src, dst = edge_index[0], edge_index[1]
    h = _gcn_conv(x, src, dst, W1, b1, N_NODES)
    h = jax.nn.relu(h)
    # dropout is identity in eval mode
    h = _gcn_conv(h, src, dst, W2, b2, N_NODES)
    return jax.nn.log_softmax(h, axis=1)

if __name__ == "__main__":
    import jax
    _d = setup_inputs()
    print(jax.jit(kernel)(*tuple(_d.values())))

</pallas_src>

<mosaic_0001>
#map = affine_map<(d0, d1) -> (0, 0, 0, 0)>
#map1 = affine_map<(d0, d1) -> (0, 0)>
#map2 = affine_map<(d0, d1) -> (0, 0, 0)>
module attributes {stable_mosaic.version = 14 : i64} {
  func.func @deg_kernel(%arg0: i32, %arg1: i32, %arg2: memref<2x16x40x125xi32, #tpu.memory_space<hbm>>, %arg3: memref<125x128xf32, #tpu.memory_space<hbm>>, %arg4: memref<640x128xf32, #tpu.memory_space<hbm>>, %arg5: memref<2x10240x128xf32, #tpu.memory_space<hbm>>, %arg6: memref<10240x128xf32, #tpu.memory_space<vmem_shared>>, %arg7: memref<125x128xf32, #tpu.memory_space<vmem>>, %arg8: memref<40x125xi32, #tpu.memory_space<vmem>>, %arg9: memref<!tpu.dma_semaphore, #tpu.memory_space<semaphore_mem>>) attributes {dimension_semantics = [#tpu.dimension_semantics<core_parallel>, #tpu.dimension_semantics<subcore_parallel>], iteration_bounds = array<i64: 2, 16>, scalar_prefetch = 0 : i64, scratch_operands = 4 : i64, tpu.core_type = #tpu.core_type<sc_vector_subcore>, window_params = [{transform_indices = #map}, {transform_indices = #map1}, {transform_indices = #map1}, {transform_indices = #map2}]} {
    %mul3A = arith.constant 640 : i32
    %mul3A_0 = arith.muli %arg1, %mul3A : i32
    "tpu.region"() ({
      %run_scoped3A = tpu.sem_alloc : memref<!tpu.dma_semaphore, #tpu.memory_space<semaphore_mem>>
      %dma_start3A = arith.constant 0 : i32
      %dma_start3A_17 = tpu.memref_slice %arg6[%mul3A_0, %dma_start3A] : memref<10240x128xf32, #tpu.memory_space<vmem_shared>> -> memref<640x128xf32, #tpu.memory_space<vmem_shared>>
      tpu.enqueue_dma source(%arg4 : memref<640x128xf32, #tpu.memory_space<hbm>>) target(%dma_start3A_17 : memref<640x128xf32, #tpu.memory_space<vmem_shared>>) target_semaphore(%run_scoped3A : memref<!tpu.dma_semaphore, #tpu.memory_space<semaphore_mem>>)
      %dma_wait3A = arith.constant 0 : i32
      %dma_wait3A_18 = tpu.memref_slice %arg6[%mul3A_0, %dma_wait3A] : memref<10240x128xf32, #tpu.memory_space<vmem_shared>> -> memref<640x128xf32, #tpu.memory_space<vmem_shared>>
      tpu.wait_dma2 semaphore(%run_scoped3A : memref<!tpu.dma_semaphore, #tpu.memory_space<semaphore_mem>>) src(%arg4 : memref<640x128xf32, #tpu.memory_space<hbm>>) dst(%dma_wait3A_18 : memref<640x128xf32, #tpu.memory_space<vmem_shared>>)
      tpu.yield
    }) : () -> ()
    "tpu.region"() ({
      %run_scoped3A = tpu.sem_alloc : memref<!tpu.dma_semaphore, #tpu.memory_space<semaphore_mem>>
      tpu.enqueue_dma source(%arg3 : memref<125x128xf32, #tpu.memory_space<hbm>>) target(%arg7 : memref<125x128xf32, #tpu.memory_space<vmem>>) target_semaphore(%run_scoped3A : memref<!tpu.dma_semaphore, #tpu.memory_space<semaphore_mem>>)
      tpu.wait_dma2 semaphore(%run_scoped3A : memref<!tpu.dma_semaphore, #tpu.memory_space<semaphore_mem>>) src(%arg3 : memref<125x128xf32, #tpu.memory_space<hbm>>) dst(%arg7 : memref<125x128xf32, #tpu.memory_space<vmem>>)
      tpu.yield
    }) : () -> ()
    "tpu.region"() ({
      %run_scoped3A = tpu.sem_alloc : memref<!tpu.dma_semaphore, #tpu.memory_space<semaphore_mem>>
      %dma_start3A = arith.constant 0 : i32
      %dma_start3A_17 = arith.constant 0 : i32
      %dma_start3A_18 = tpu.memref_slice %arg2[%arg0, %arg1, %dma_start3A, %dma_start3A_17] : memref<2x16x40x125xi32, #tpu.memory_space<hbm>> -> memref<1x1x40x125xi32, #tpu.memory_space<hbm>>
      %dma_start3A_19 = tpu.memref_squeeze %dma_start3A_18 : memref<1x1x40x125xi32, #tpu.memory_space<hbm>> -> memref<40x125xi32, #tpu.memory_space<hbm>>
      %dma_start3A_20 = arith.constant 0 : i32
      %dma_start3A_21 = arith.constant 0 : i32
      %dma_start3A_22 = tpu.memref_slice %arg2[%arg0, %arg1, %dma_start3A_20, %dma_start3A_21] : memref<2x16x40x125xi32, #tpu.memory_space<hbm>> -> memref<1x1x40x125xi32, #tpu.memory_space<hbm>>
      %dma_start3A_23 = tpu.memref_squeeze %dma_start3A_22 : memref<1x1x40x125xi32, #tpu.memory_space<hbm>> -> memref<40x125xi32, #tpu.memory_space<hbm>>
      tpu.enqueue_dma source(%dma_start3A_23 : memref<40x125xi32, #tpu.memory_space<hbm>>) target(%arg8 : memref<40x125xi32, #tpu.memory_space<vmem>>) target_semaphore(%run_scoped3A : memref<!tpu.dma_semaphore, #tpu.memory_space<semaphore_mem>>)
      %dma_wait3A = arith.constant 0 : i32
      %dma_wait3A_24 = arith.constant 0 : i32
      %dma_wait3A_25 = tpu.memref_slice %arg2[%arg0, %arg1, %dma_wait3A, %dma_wait3A_24] : memref<2x16x40x125xi32, #tpu.memory_space<hbm>> -> memref<1x1x40x125xi32, #tpu.memory_space<hbm>>
      %dma_wait3A_26 = tpu.memref_squeeze %dma_wait3A_25 : memref<1x1x40x125xi32, #tpu.memory_space<hbm>> -> memref<40x125xi32, #tpu.memory_space<hbm>>
      %dma_wait3A_27 = arith.constant 0 : i32
      %dma_wait3A_28 = arith.constant 0 : i32
      %dma_wait3A_29 = tpu.memref_slice %arg2[%arg0, %arg1, %dma_wait3A_27, %dma_wait3A_28] : memref<2x16x40x125xi32, #tpu.memory_space<hbm>> -> memref<1x1x40x125xi32, #tpu.memory_space<hbm>>
      %dma_wait3A_30 = tpu.memref_squeeze %dma_wait3A_29 : memref<1x1x40x125xi32, #tpu.memory_space<hbm>> -> memref<40x125xi32, #tpu.memory_space<hbm>>
      tpu.wait_dma2 semaphore(%run_scoped3A : memref<!tpu.dma_semaphore, #tpu.memory_space<semaphore_mem>>) src(%dma_wait3A_30 : memref<40x125xi32, #tpu.memory_space<hbm>>) dst(%arg8 : memref<40x125xi32, #tpu.memory_space<vmem>>)
      tpu.yield
    }) : () -> ()
    %barrier3A = arith.constant 0 : index
    tpu.barrier barrier_id(%barrier3A)
    %scan3A = arith.constant 0 : i32
    %scan3A_1 = arith.constant 0 : i32
    %scan3A_2 = arith.constant 40 : i32
    %scan3A_3 = arith.addi %scan3A_1, %scan3A_2 : i32
    %scan3A_4 = arith.constant 1 : i32
    scf.for %scan3A_17 = %scan3A_1 to %scan3A_3 step %scan3A_4  : i32 {
      %dma_start3A = arith.constant 0 : i32
      %dma_start3A_18 = tpu.memref_slice %arg8[%scan3A_17, %dma_start3A] : memref<40x125xi32, #tpu.memory_space<vmem>> -> memref<1x125xi32, #tpu.memory_space<vmem>>
      %dma_start3A_19 = tpu.memref_squeeze %dma_start3A_18 : memref<1x125xi32, #tpu.memory_space<vmem>> -> memref<125xi32, #tpu.memory_space<vmem>>
      %dma_start3A_20 = arith.constant 0 : i32
      %dma_start3A_21 = arith.constant 0 : i32
      %dma_start3A_22 = tpu.memref_slice %arg6[%dma_start3A_20, %dma_start3A_21] : memref<10240x128xf32, #tpu.memory_space<vmem_shared>> -> memref<10240x128xf32, #tpu.memory_space<vmem_shared>>
      tpu.enqueue_indirect_dma source(%arg7 : memref<125x128xf32, #tpu.memory_space<vmem>>) target(%dma_start3A_22 : memref<10240x128xf32, #tpu.memory_space<vmem_shared>>) offsets(%dma_start3A_19 : memref<125xi32, #tpu.memory_space<vmem>>) semaphore(%arg9 : memref<!tpu.dma_semaphore, #tpu.memory_space<semaphore_mem>>) {add = true}
    }
    %scan3A_5 = arith.constant 40 : i32
    %scan3A_6 = arith.constant 0 : i32
    %scan3A_7 = arith.constant 0 : i32
    %scan3A_8 = arith.constant 40 : i32
    %scan3A_9 = arith.addi %scan3A_7, %scan3A_8 : i32
    %scan3A_10 = arith.constant 1 : i32
    scf.for %scan3A_17 = %scan3A_7 to %scan3A_9 step %scan3A_10  : i32 {
      %dma_wait3A = arith.constant 0 : i32
      %dma_wait3A_18 = tpu.memref_slice %arg8[%scan3A_17, %dma_wait3A] : memref<40x125xi32, #tpu.memory_space<vmem>> -> memref<1x125xi32, #tpu.memory_space<vmem>>
      %dma_wait3A_19 = tpu.memref_squeeze %dma_wait3A_18 : memref<1x125xi32, #tpu.memory_space<vmem>> -> memref<125xi32, #tpu.memory_space<vmem>>
      %dma_wait3A_20 = arith.constant 0 : i32
      %dma_wait3A_21 = arith.constant 0 : i32
      %dma_wait3A_22 = tpu.memref_slice %arg6[%dma_wait3A_20, %dma_wait3A_21] : memref<10240x128xf32, #tpu.memory_space<vmem_shared>> -> memref<10240x128xf32, #tpu.memory_space<vmem_shared>>
      tpu.wait_indirect_dma semaphore(%arg9 : memref<!tpu.dma_semaphore, #tpu.memory_space<semaphore_mem>>) src(%arg7 : memref<125x128xf32, #tpu.memory_space<vmem>>) dst(%dma_wait3A_22 : memref<10240x128xf32, #tpu.memory_space<vmem_shared>>)
    }
    %scan3A_11 = arith.constant 40 : i32
    %barrier3A_12 = arith.constant 0 : index
    tpu.barrier barrier_id(%barrier3A_12)
    %mul3A_13 = arith.constant 640 : i32
    %mul3A_14 = arith.muli %arg1, %mul3A_13 : i32
    %mul3A_15 = arith.constant 640 : i32
    %mul3A_16 = arith.muli %arg1, %mul3A_15 : i32
    "tpu.region"() ({
      %run_scoped3A = tpu.sem_alloc : memref<!tpu.dma_semaphore, #tpu.memory_space<semaphore_mem>>
      %dma_start3A = arith.constant 0 : i32
      %dma_start3A_17 = tpu.memref_slice %arg5[%arg0, %mul3A_16, %dma_start3A] : memref<2x10240x128xf32, #tpu.memory_space<hbm>> -> memref<1x640x128xf32, #tpu.memory_space<hbm>>
      %dma_start3A_18 = tpu.memref_squeeze %dma_start3A_17 : memref<1x640x128xf32, #tpu.memory_space<hbm>> -> memref<640x128xf32, #tpu.memory_space<hbm>>
      %dma_start3A_19 = arith.constant 0 : i32
      %dma_start3A_20 = tpu.memref_slice %arg6[%mul3A_14, %dma_start3A_19] : memref<10240x128xf32, #tpu.memory_space<vmem_shared>> -> memref<640x128xf32, #tpu.memory_space<vmem_shared>>
      tpu.enqueue_dma source(%dma_start3A_20 : memref<640x128xf32, #tpu.memory_space<vmem_shared>>) target(%dma_start3A_18 : memref<640x128xf32, #tpu.memory_space<hbm>>) target_semaphore(%run_scoped3A : memref<!tpu.dma_semaphore, #tpu.memory_space<semaphore_mem>>)
      %dma_wait3A = arith.constant 0 : i32
      %dma_wait3A_21 = tpu.memref_slice %arg5[%arg0, %mul3A_16, %dma_wait3A] : memref<2x10240x128xf32, #tpu.memory_space<hbm>> -> memref<1x640x128xf32, #tpu.memory_space<hbm>>
      %dma_wait3A_22 = tpu.memref_squeeze %dma_wait3A_21 : memref<1x640x128xf32, #tpu.memory_space<hbm>> -> memref<640x128xf32, #tpu.memory_space<hbm>>
      %dma_wait3A_23 = arith.constant 0 : i32
      %dma_wait3A_24 = tpu.memref_slice %arg6[%mul3A_14, %dma_wait3A_23] : memref<10240x128xf32, #tpu.memory_space<vmem_shared>> -> memref<640x128xf32, #tpu.memory_space<vmem_shared>>
      tpu.wait_dma2 semaphore(%run_scoped3A : memref<!tpu.dma_semaphore, #tpu.memory_space<semaphore_mem>>) src(%dma_wait3A_24 : memref<640x128xf32, #tpu.memory_space<vmem_shared>>) dst(%dma_wait3A_22 : memref<640x128xf32, #tpu.memory_space<hbm>>)
      tpu.yield
    }) : () -> ()
    return
  }
}

#map = affine_map<(d0, d1) -> (0, 0)>
#map1 = affine_map<(d0, d1) -> (0, 0, 0)>
module attributes {stable_mosaic.version = 14 : i64} {
  func.func @agg_kernel(%arg0: i32, %arg1: i32, %arg2: memref<10000x128xf32, #tpu.memory_space<hbm>>, %arg3: memref<10000x128xf32, #tpu.memory_space<hbm>>, %arg4: memref<16x10000xi32, #tpu.memory_space<hbm>>, %arg5: memref<16x125x80xi32, #tpu.memory_space<hbm>>, %arg6: memref<640x128xf32, #tpu.memory_space<hbm>>, %arg7: memref<2x10240x128xf32, #tpu.memory_space<hbm>>, %arg8: memref<10240x128xf32, #tpu.memory_space<vmem_shared>>, %arg9: memref<10000xi32, #tpu.memory_space<vmem>>, %arg10: memref<125x80xi32, #tpu.memory_space<vmem>>, %arg11: memref<80x128xf32, #tpu.memory_space<vmem>>, %arg12: memref<80x128xf32, #tpu.memory_space<vmem>>, %arg13: memref<!tpu.dma_semaphore, #tpu.memory_space<semaphore_mem>>, %arg14: memref<!tpu.dma_semaphore, #tpu.memory_space<semaphore_mem>>, %arg15: memref<!tpu.dma_semaphore, #tpu.memory_space<semaphore_mem>>, %arg16: memref<!tpu.dma_semaphore, #tpu.memory_space<semaphore_mem>>) attributes {dimension_semantics = [#tpu.dimension_semantics<core_parallel>, #tpu.dimension_semantics<subcore_parallel>], iteration_bounds = array<i64: 2, 16>, scalar_prefetch = 0 : i64, scratch_operands = 9 : i64, tpu.core_type = #tpu.core_type<sc_vector_subcore>, window_params = [{transform_indices = #map}, {transform_indices = #map}, {transform_indices = #map}, {transform_indices = #map1}, {transform_indices = #map}, {transform_indices = #map1}]} {
    %mul3A = arith.constant 640 : i32
    %mul3A_0 = arith.muli %arg1, %mul3A : i32
    "tpu.region"() ({
      %run_scoped3A = tpu.sem_alloc : memref<!tpu.dma_semaphore, #tpu.memory_space<semaphore_mem>>
      %dma_start3A = arith.constant 0 : i32
      %dma_start3A_13 = tpu.memref_slice %arg8[%mul3A_0, %dma_start3A] : memref<10240x128xf32, #tpu.memory_space<vmem_shared>> -> memref<640x128xf32, #tpu.memory_space<vmem_shared>>
      tpu.enqueue_dma source(%arg6 : memref<640x128xf32, #tpu.memory_space<hbm>>) target(%dma_start3A_13 : memref<640x128xf32, #tpu.memory_space<vmem_shared>>) target_semaphore(%run_scoped3A : memref<!tpu.dma_semaphore, #tpu.memory_space<semaphore_mem>>)
      %dma_wait3A = arith.constant 0 : i32
      %dma_wait3A_14 = tpu.memref_slice %arg8[%mul3A_0, %dma_wait3A] : memref<10240x128xf32, #tpu.memory_space<vmem_shared>> -> memref<640x128xf32, #tpu.memory_space<vmem_shared>>
      tpu.wait_dma2 semaphore(%run_scoped3A : memref<!tpu.dma_semaphore, #tpu.memory_space<semaphore_mem>>) src(%arg6 : memref<640x128xf32, #tpu.memory_space<hbm>>) dst(%dma_wait3A_14 : memref<640x128xf32, #tpu.memory_space<vmem_shared>>)
      tpu.yield
    }) : () -> ()
    "tpu.region"() ({
      %run_scoped3A = tpu.sem_alloc : memref<!tpu.dma_semaphore, #tpu.memory_space<semaphore_mem>>
      %dma_start3A = arith.constant 0 : i32
      %dma_start3A_13 = tpu.memref_slice %arg4[%arg1, %dma_start3A] : memref<16x10000xi32, #tpu.memory_space<hbm>> -> memref<1x10000xi32, #tpu.memory_space<hbm>>
      %dma_start3A_14 = tpu.memref_squeeze %dma_start3A_13 : memref<1x10000xi32, #tpu.memory_space<hbm>> -> memref<10000xi32, #tpu.memory_space<hbm>>
      %dma_start3A_15 = arith.constant 0 : i32
      %dma_start3A_16 = tpu.memref_slice %arg4[%arg1, %dma_start3A_15] : memref<16x10000xi32, #tpu.memory_space<hbm>> -> memref<1x10000xi32, #tpu.memory_space<hbm>>
      %dma_start3A_17 = tpu.memref_squeeze %dma_start3A_16 : memref<1x10000xi32, #tpu.memory_space<hbm>> -> memref<10000xi32, #tpu.memory_space<hbm>>
      tpu.enqueue_dma source(%dma_start3A_17 : memref<10000xi32, #tpu.memory_space<hbm>>) target(%arg9 : memref<10000xi32, #tpu.memory_space<vmem>>) target_semaphore(%run_scoped3A : memref<!tpu.dma_semaphore, #tpu.memory_space<semaphore_mem>>)
      %dma_wait3A = arith.constant 0 : i32
      %dma_wait3A_18 = tpu.memref_slice %arg4[%arg1, %dma_wait3A] : memref<16x10000xi32, #tpu.memory_space<hbm>> -> memref<1x10000xi32, #tpu.memory_space<hbm>>
      %dma_wait3A_19 = tpu.memref_squeeze %dma_wait3A_18 : memref<1x10000xi32, #tpu.memory_space<hbm>> -> memref<10000xi32, #tpu.memory_space<hbm>>
      %dma_wait3A_20 = arith.constant 0 : i32
      %dma_wait3A_21 = tpu.memref_slice %arg4[%arg1, %dma_wait3A_20] : memref<16x10000xi32, #tpu.memory_space<hbm>> -> memref<1x10000xi32, #tpu.memory_space<hbm>>
      %dma_wait3A_22 = tpu.memref_squeeze %dma_wait3A_21 : memref<1x10000xi32, #tpu.memory_space<hbm>> -> memref<10000xi32, #tpu.memory_space<hbm>>
      tpu.wait_dma2 semaphore(%run_scoped3A : memref<!tpu.dma_semaphore, #tpu.memory_space<semaphore_mem>>) src(%dma_wait3A_22 : memref<10000xi32, #tpu.memory_space<hbm>>) dst(%arg9 : memref<10000xi32, #tpu.memory_space<vmem>>)
      tpu.yield
    }) : () -> ()
    "tpu.region"() ({
      %run_scoped3A = tpu.sem_alloc : memref<!tpu.dma_semaphore, #tpu.memory_space<semaphore_mem>>
      %dma_start3A = arith.constant 0 : i32
      %dma_start3A_13 = arith.constant 0 : i32
      %dma_start3A_14 = tpu.memref_slice %arg5[%arg1, %dma_start3A, %dma_start3A_13] : memref<16x125x80xi32, #tpu.memory_space<hbm>> -> memref<1x125x80xi32, #tpu.memory_space<hbm>>
      %dma_start3A_15 = tpu.memref_squeeze %dma_start3A_14 : memref<1x125x80xi32, #tpu.memory_space<hbm>> -> memref<125x80xi32, #tpu.memory_space<hbm>>
      %dma_start3A_16 = arith.constant 0 : i32
      %dma_start3A_17 = arith.constant 0 : i32
      %dma_start3A_18 = tpu.memref_slice %arg5[%arg1, %dma_start3A_16, %dma_start3A_17] : memref<16x125x80xi32, #tpu.memory_space<hbm>> -> memref<1x125x80xi32, #tpu.memory_space<hbm>>
      %dma_start3A_19 = tpu.memref_squeeze %dma_start3A_18 : memref<1x125x80xi32, #tpu.memory_space<hbm>> -> memref<125x80xi32, #tpu.memory_space<hbm>>
      tpu.enqueue_dma source(%dma_start3A_19 : memref<125x80xi32, #tpu.memory_space<hbm>>) target(%arg10 : memref<125x80xi32, #tpu.memory_space<vmem>>) target_semaphore(%run_scoped3A : memref<!tpu.dma_semaphore, #tpu.memory_space<semaphore_mem>>)
      %dma_wait3A = arith.constant 0 : i32
      %dma_wait3A_20 = arith.constant 0 : i32
      %dma_wait3A_21 = tpu.memref_slice %arg5[%arg1, %dma_wait3A, %dma_wait3A_20] : memref<16x125x80xi32, #tpu.memory_space<hbm>> -> memref<1x125x80xi32, #tpu.memory_space<hbm>>
      %dma_wait3A_22 = tpu.memref_squeeze %dma_wait3A_21 : memref<1x125x80xi32, #tpu.memory_space<hbm>> -> memref<125x80xi32, #tpu.memory_space<hbm>>
      %dma_wait3A_23 = arith.constant 0 : i32
      %dma_wait3A_24 = arith.constant 0 : i32
      %dma_wait3A_25 = tpu.memref_slice %arg5[%arg1, %dma_wait3A_23, %dma_wait3A_24] : memref<16x125x80xi32, #tpu.memory_space<hbm>> -> memref<1x125x80xi32, #tpu.memory_space<hbm>>
      %dma_wait3A_26 = tpu.memref_squeeze %dma_wait3A_25 : memref<1x125x80xi32, #tpu.memory_space<hbm>> -> memref<125x80xi32, #tpu.memory_space<hbm>>
      tpu.wait_dma2 semaphore(%run_scoped3A : memref<!tpu.dma_semaphore, #tpu.memory_space<semaphore_mem>>) src(%dma_wait3A_26 : memref<125x80xi32, #tpu.memory_space<hbm>>) dst(%arg10 : memref<125x80xi32, #tpu.memory_space<vmem>>)
      tpu.yield
    }) : () -> ()
    %barrier3A = arith.constant 0 : index
    tpu.barrier barrier_id(%barrier3A)
    %eq3A = arith.constant 0 : i32
    %eq3A_1 = arith.cmpi eq, %arg0, %eq3A : i32
    %convert_element_type3A = arith.extui %eq3A_1 : i1 to i32
    %cond3A = arith.constant 0 : i32
    %cond3A_2 = arith.cmpi ne, %convert_element_type3A, %cond3A : i32
    scf.if %cond3A_2 {
      %dma_start3A = arith.constant 0 : i32
      %dma_start3A_13 = tpu.memref_slice %arg9[%dma_start3A] : memref<10000xi32, #tpu.memory_space<vmem>> -> memref<80xi32, #tpu.memory_space<vmem>>
      %dma_start3A_14 = arith.constant 0 : i32
      %dma_start3A_15 = arith.constant 0 : i32
      %dma_start3A_16 = tpu.memref_slice %arg2[%dma_start3A_14, %dma_start3A_15] : memref<10000x128xf32, #tpu.memory_space<hbm>> -> memref<10000x128xf32, #tpu.memory_space<hbm>>
      tpu.enqueue_indirect_dma source(%dma_start3A_16 : memref<10000x128xf32, #tpu.memory_space<hbm>>) target(%arg11 : memref<80x128xf32, #tpu.memory_space<vmem>>) offsets(%dma_start3A_13 : memref<80xi32, #tpu.memory_space<vmem>>) semaphore(%arg13 : memref<!tpu.dma_semaphore, #tpu.memory_space<semaphore_mem>>)
      %scan3A = arith.constant 0 : i32
      %scan3A_17 = arith.constant 0 : i32
      %scan3A_18 = arith.constant 63 : i32
      %scan3A_19 = arith.addi %scan3A_17, %scan3A_18 : i32
      %scan3A_20 = arith.constant 1 : i32
      scf.for %scan3A_35 = %scan3A_17 to %scan3A_19 step %scan3A_20  : i32 {
        %mul3A_36 = arith.constant 2 : i32
        %mul3A_37 = arith.muli %mul3A_36, %scan3A_35 : i32
        %add3A = arith.constant 0 : i32
        %add3A_38 = arith.addi %mul3A_37, %add3A : i32
        %lt3A = arith.constant 125 : i32
        %lt3A_39 = arith.cmpi slt, %add3A_38, %lt3A : i32
        %convert_element_type3A_40 = arith.extui %lt3A_39 : i1 to i32
        %cond3A_41 = arith.constant 0 : i32
        %cond3A_42 = arith.cmpi ne, %convert_element_type3A_40, %cond3A_41 : i32
        scf.if %cond3A_42 {
          %mul3A_50 = arith.constant 80 : i32
          %mul3A_51 = arith.muli %add3A_38, %mul3A_50 : i32
          %dma_wait3A_52 = tpu.memref_slice %arg9[%mul3A_51] : memref<10000xi32, #tpu.memory_space<vmem>> -> memref<80xi32, #tpu.memory_space<vmem>>
          %dma_wait3A_53 = arith.constant 0 : i32
          %dma_wait3A_54 = arith.constant 0 : i32
          %dma_wait3A_55 = tpu.memref_slice %arg2[%dma_wait3A_53, %dma_wait3A_54] : memref<10000x128xf32, #tpu.memory_space<hbm>> -> memref<10000x128xf32, #tpu.memory_space<hbm>>
          tpu.wait_indirect_dma semaphore(%arg13 : memref<!tpu.dma_semaphore, #tpu.memory_space<semaphore_mem>>) src(%dma_wait3A_55 : memref<10000x128xf32, #tpu.memory_space<hbm>>) dst(%arg11 : memref<80x128xf32, #tpu.memory_space<vmem>>)
          %add3A_56 = arith.constant 1 : i32
          %add3A_57 = arith.addi %add3A_38, %add3A_56 : i32
          %lt3A_58 = arith.constant 125 : i32
          %lt3A_59 = arith.cmpi slt, %add3A_57, %lt3A_58 : i32
          %convert_element_type3A_60 = arith.extui %lt3A_59 : i1 to i32
          %cond3A_61 = arith.constant 0 : i32
          %cond3A_62 = arith.cmpi ne, %convert_element_type3A_60, %cond3A_61 : i32
          scf.if %cond3A_62 {
            %ge3A = arith.constant 1 : i32
            %ge3A_69 = arith.cmpi sge, %add3A_38, %ge3A : i32
            %convert_element_type3A_70 = arith.extui %ge3A_69 : i1 to i32
            %cond3A_71 = arith.constant 0 : i32
            %cond3A_72 = arith.cmpi ne, %convert_element_type3A_70, %cond3A_71 : i32
            scf.if %cond3A_72 {
              %sub3A = arith.constant 1 : i32
              %sub3A_81 = arith.subi %add3A_38, %sub3A : i32
              %dma_wait3A_82 = arith.constant 0 : i32
              %dma_wait3A_83 = tpu.memref_slice %arg10[%sub3A_81, %dma_wait3A_82] : memref<125x80xi32, #tpu.memory_space<vmem>> -> memref<1x80xi32, #tpu.memory_space<vmem>>
              %dma_wait3A_84 = tpu.memref_squeeze %dma_wait3A_83 : memref<1x80xi32, #tpu.memory_space<vmem>> -> memref<80xi32, #tpu.memory_space<vmem>>
              %dma_wait3A_85 = arith.constant 0 : i32
              %dma_wait3A_86 = arith.constant 0 : i32
              %dma_wait3A_87 = tpu.memref_slice %arg8[%dma_wait3A_85, %dma_wait3A_86] : memref<10240x128xf32, #tpu.memory_space<vmem_shared>> -> memref<10240x128xf32, #tpu.memory_space<vmem_shared>>
              tpu.wait_indirect_dma semaphore(%arg16 : memref<!tpu.dma_semaphore, #tpu.memory_space<semaphore_mem>>) src(%arg12 : memref<80x128xf32, #tpu.memory_space<vmem>>) dst(%dma_wait3A_87 : memref<10240x128xf32, #tpu.memory_space<vmem_shared>>)
            } else {
            }
            %add3A_73 = arith.constant 1 : i32
            %add3A_74 = arith.addi %add3A_38, %add3A_73 : i32
            %mul3A_75 = arith.constant 80 : i32
            %mul3A_76 = arith.muli %add3A_74, %mul3A_75 : i32
            %dma_start3A_77 = tpu.memref_slice %arg9[%mul3A_76] : memref<10000xi32, #tpu.memory_space<vmem>> -> memref<80xi32, #tpu.memory_space<vmem>>
            %dma_start3A_78 = arith.constant 0 : i32
            %dma_start3A_79 = arith.constant 0 : i32
            %dma_start3A_80 = tpu.memref_slice %arg2[%dma_start3A_78, %dma_start3A_79] : memref<10000x128xf32, #tpu.memory_space<hbm>> -> memref<10000x128xf32, #tpu.memory_space<hbm>>
            tpu.enqueue_indirect_dma source(%dma_start3A_80 : memref<10000x128xf32, #tpu.memory_space<hbm>>) target(%arg12 : memref<80x128xf32, #tpu.memory_space<vmem>>) offsets(%dma_start3A_77 : memref<80xi32, #tpu.memory_space<vmem>>) semaphore(%arg14 : memref<!tpu.dma_semaphore, #tpu.memory_space<semaphore_mem>>)
          } else {
          }
          %dma_start3A_63 = arith.constant 0 : i32
          %dma_start3A_64 = tpu.memref_slice %arg10[%add3A_38, %dma_start3A_63] : memref<125x80xi32, #tpu.memory_space<vmem>> -> memref<1x80xi32, #tpu.memory_space<vmem>>
          %dma_start3A_65 = tpu.memref_squeeze %dma_start3A_64 : memref<1x80xi32, #tpu.memory_space<vmem>> -> memref<80xi32, #tpu.memory_space<vmem>>
          %dma_start3A_66 = arith.constant 0 : i32
          %dma_start3A_67 = arith.constant 0 : i32
          %dma_start3A_68 = tpu.memref_slice %arg8[%dma_start3A_66, %dma_start3A_67] : memref<10240x128xf32, #tpu.memory_space<vmem_shared>> -> memref<10240x128xf32, #tpu.memory_space<vmem_shared>>
          tpu.enqueue_indirect_dma source(%arg11 : memref<80x128xf32, #tpu.memory_space<vmem>>) target(%dma_start3A_68 : memref<10240x128xf32, #tpu.memory_space<vmem_shared>>) offsets(%dma_start3A_65 : memref<80xi32, #tpu.memory_space<vmem>>) semaphore(%arg15 : memref<!tpu.dma_semaphore, #tpu.memory_space<semaphore_mem>>) {add = true}
        } else {
        }
        %add3A_43 = arith.constant 1 : i32
        %add3A_44 = arith.addi %mul3A_37, %add3A_43 : i32
        %lt3A_45 = arith.constant 125 : i32
        %lt3A_46 = arith.cmpi slt, %add3A_44, %lt3A_45 : i32
        %convert_element_type3A_47 = arith.extui %lt3A_46 : i1 to i32
        %cond3A_48 = arith.constant 0 : i32
        %cond3A_49 = arith.cmpi ne, %convert_element_type3A_47, %cond3A_48 : i32
        scf.if %cond3A_49 {
          %mul3A_50 = arith.constant 80 : i32
          %mul3A_51 = arith.muli %add3A_44, %mul3A_50 : i32
          %dma_wait3A_52 = tpu.memref_slice %arg9[%mul3A_51] : memref<10000xi32, #tpu.memory_space<vmem>> -> memref<80xi32, #tpu.memory_space<vmem>>
          %dma_wait3A_53 = arith.constant 0 : i32
          %dma_wait3A_54 = arith.constant 0 : i32
          %dma_wait3A_55 = tpu.memref_slice %arg2[%dma_wait3A_53, %dma_wait3A_54] : memref<10000x128xf32, #tpu.memory_space<hbm>> -> memref<10000x128xf32, #tpu.memory_space<hbm>>
          tpu.wait_indirect_dma semaphore(%arg14 : memref<!tpu.dma_semaphore, #tpu.memory_space<semaphore_mem>>) src(%dma_wait3A_55 : memref<10000x128xf32, #tpu.memory_space<hbm>>) dst(%arg12 : memref<80x128xf32, #tpu.memory_space<vmem>>)
          %add3A_56 = arith.constant 1 : i32
          %add3A_57 = arith.addi %add3A_44, %add3A_56 : i32
          %lt3A_58 = arith.constant 125 : i32
          %lt3A_59 = arith.cmpi slt, %add3A_57, %lt3A_58 : i32
          %convert_element_type3A_60 = arith.extui %lt3A_59 : i1 to i32
          %cond3A_61 = arith.constant 0 : i32
          %cond3A_62 = arith.cmpi ne, %convert_element_type3A_60, %cond3A_61 : i32
          scf.if %cond3A_62 {
            %ge3A = arith.constant 1 : i32
            %ge3A_69 = arith.cmpi sge, %add3A_44, %ge3A : i32
            %convert_element_type3A_70 = arith.extui %ge3A_69 : i1 to i32
            %cond3A_71 = arith.constant 0 : i32
            %cond3A_72 = arith.cmpi ne, %convert_element_type3A_70, %cond3A_71 : i32
            scf.if %cond3A_72 {
              %sub3A = arith.constant 1 : i32
              %sub3A_81 = arith.subi %add3A_44, %sub3A : i32
              %dma_wait3A_82 = arith.constant 0 : i32
              %dma_wait3A_83 = tpu.memref_slice %arg10[%sub3A_81, %dma_wait3A_82] : memref<125x80xi32, #tpu.memory_space<vmem>> -> memref<1x80xi32, #tpu.memory_space<vmem>>
              %dma_wait3A_84 = tpu.memref_squeeze %dma_wait3A_83 : memref<1x80xi32, #tpu.memory_space<vmem>> -> memref<80xi32, #tpu.memory_space<vmem>>
              %dma_wait3A_85 = arith.constant 0 : i32
              %dma_wait3A_86 = arith.constant 0 : i32
              %dma_wait3A_87 = tpu.memref_slice %arg8[%dma_wait3A_85, %dma_wait3A_86] : memref<10240x128xf32, #tpu.memory_space<vmem_shared>> -> memref<10240x128xf32, #tpu.memory_space<vmem_shared>>
              tpu.wait_indirect_dma semaphore(%arg15 : memref<!tpu.dma_semaphore, #tpu.memory_space<semaphore_mem>>) src(%arg11 : memref<80x128xf32, #tpu.memory_space<vmem>>) dst(%dma_wait3A_87 : memref<10240x128xf32, #tpu.memory_space<vmem_shared>>)
            } else {
            }
            %add3A_73 = arith.constant 1 : i32
            %add3A_74 = arith.addi %add3A_44, %add3A_73 : i32
            %mul3A_75 = arith.constant 80 : i32
            %mul3A_76 = arith.muli %add3A_74, %mul3A_75 : i32
            %dma_start3A_77 = tpu.memref_slice %arg9[%mul3A_76] : memref<10000xi32, #tpu.memory_space<vmem>> -> memref<80xi32, #tpu.memory_space<vmem>>
            %dma_start3A_78 = arith.constant 0 : i32
            %dma_start3A_79 = arith.constant 0 : i32
            %dma_start3A_80 = tpu.memref_slice %arg2[%dma_start3A_78, %dma_start3A_79] : memref<10000x128xf32, #tpu.memory_space<hbm>> -> memref<10000x128xf32, #tpu.memory_space<hbm>>
            tpu.enqueue_indirect_dma source(%dma_start3A_80 : memref<10000x128xf32, #tpu.memory_space<hbm>>) target(%arg11 : memref<80x128xf32, #tpu.memory_space<vmem>>) offsets(%dma_start3A_77 : memref<80xi32, #tpu.memory_space<vmem>>) semaphore(%arg13 : memref<!tpu.dma_semaphore, #tpu.memory_space<semaphore_mem>>)
          } else {
          }
          %dma_start3A_63 = arith.constant 0 : i32
          %dma_start3A_64 = tpu.memref_slice %arg10[%add3A_44, %dma_start3A_63] : memref<125x80xi32, #tpu.memory_space<vmem>> -> memref<1x80xi32, #tpu.memory_space<vmem>>
          %dma_start3A_65 = tpu.memref_squeeze %dma_start3A_64 : memref<1x80xi32, #tpu.memory_space<vmem>> -> memref<80xi32, #tpu.memory_space<vmem>>
          %dma_start3A_66 = arith.constant 0 : i32
          %dma_start3A_67 = arith.constant 0 : i32
          %dma_start3A_68 = tpu.memref_slice %arg8[%dma_start3A_66, %dma_start3A_67] : memref<10240x128xf32, #tpu.memory_space<vmem_shared>> -> memref<10240x128xf32, #tpu.memory_space<vmem_shared>>
          tpu.enqueue_indirect_dma source(%arg12 : memref<80x128xf32, #tpu.memory_space<vmem>>) target(%dma_start3A_68 : memref<10240x128xf32, #tpu.memory_space<vmem_shared>>) offsets(%dma_start3A_65 : memref<80xi32, #tpu.memory_space<vmem>>) semaphore(%arg16 : memref<!tpu.dma_semaphore, #tpu.memory_space<semaphore_mem>>) {add = true}
        } else {
        }
      }
      %scan3A_21 = arith.constant 63 : i32
      %dma_wait3A = arith.constant 124 : i32
      %dma_wait3A_22 = arith.constant 0 : i32
      %dma_wait3A_23 = tpu.memref_slice %arg10[%dma_wait3A, %dma_wait3A_22] : memref<125x80xi32, #tpu.memory_space<vmem>> -> memref<1x80xi32, #tpu.memory_space<vmem>>
      %dma_wait3A_24 = tpu.memref_squeeze %dma_wait3A_23 : memref<1x80xi32, #tpu.memory_space<vmem>> -> memref<80xi32, #tpu.memory_space<vmem>>
      %dma_wait3A_25 = arith.constant 0 : i32
      %dma_wait3A_26 = arith.constant 0 : i32
      %dma_wait3A_27 = tpu.memref_slice %arg8[%dma_wait3A_25, %dma_wait3A_26] : memref<10240x128xf32, #tpu.memory_space<vmem_shared>> -> memref<10240x128xf32, #tpu.memory_space<vmem_shared>>
      tpu.wait_indirect_dma semaphore(%arg15 : memref<!tpu.dma_semaphore, #tpu.memory_space<semaphore_mem>>) src(%arg11 : memref<80x128xf32, #tpu.memory_space<vmem>>) dst(%dma_wait3A_27 : memref<10240x128xf32, #tpu.memory_space<vmem_shared>>)
      %dma_wait3A_28 = arith.constant 123 : i32
      %dma_wait3A_29 = arith.constant 0 : i32
      %dma_wait3A_30 = tpu.memref_slice %arg10[%dma_wait3A_28, %dma_wait3A_29] : memref<125x80xi32, #tpu.memory_space<vmem>> -> memref<1x80xi32, #tpu.memory_space<vmem>>
      %dma_wait3A_31 = tpu.memref_squeeze %dma_wait3A_30 : memref<1x80xi32, #tpu.memory_space<vmem>> -> memref<80xi32, #tpu.memory_space<vmem>>
      %dma_wait3A_32 = arith.constant 0 : i32
      %dma_wait3A_33 = arith.constant 0 : i32
      %dma_wait3A_34 = tpu.memref_slice %arg8[%dma_wait3A_32, %dma_wait3A_33] : memref<10240x128xf32, #tpu.memory_space<vmem_shared>> -> memref<10240x128xf32, #tpu.memory_space<vmem_shared>>
      tpu.wait_indirect_dma semaphore(%arg16 : memref<!tpu.dma_semaphore, #tpu.memory_space<semaphore_mem>>) src(%arg12 : memref<80x128xf32, #tpu.memory_space<vmem>>) dst(%dma_wait3A_34 : memref<10240x128xf32, #tpu.memory_space<vmem_shared>>)
    } else {
    }
    %eq3A_3 = arith.constant 1 : i32
    %eq3A_4 = arith.cmpi eq, %arg0, %eq3A_3 : i32
    %convert_element_type3A_5 = arith.extui %eq3A_4 : i1 to i32
    %cond3A_6 = arith.constant 0 : i32
    %cond3A_7 = arith.cmpi ne, %convert_element_type3A_5, %cond3A_6 : i32
    scf.if %cond3A_7 {
      %dma_start3A = arith.constant 0 : i32
      %dma_start3A_13 = tpu.memref_slice %arg9[%dma_start3A] : memref<10000xi32, #tpu.memory_space<vmem>> -> memref<80xi32, #tpu.memory_space<vmem>>
      %dma_start3A_14 = arith.constant 0 : i32
      %dma_start3A_15 = arith.constant 0 : i32
      %dma_start3A_16 = tpu.memref_slice %arg3[%dma_start3A_14, %dma_start3A_15] : memref<10000x128xf32, #tpu.memory_space<hbm>> -> memref<10000x128xf32, #tpu.memory_space<hbm>>
      tpu.enqueue_indirect_dma source(%dma_start3A_16 : memref<10000x128xf32, #tpu.memory_space<hbm>>) target(%arg11 : memref<80x128xf32, #tpu.memory_space<vmem>>) offsets(%dma_start3A_13 : memref<80xi32, #tpu.memory_space<vmem>>) semaphore(%arg13 : memref<!tpu.dma_semaphore, #tpu.memory_space<semaphore_mem>>)
      %scan3A = arith.constant 0 : i32
      %scan3A_17 = arith.constant 0 : i32
      %scan3A_18 = arith.constant 63 : i32
      %scan3A_19 = arith.addi %scan3A_17, %scan3A_18 : i32
      %scan3A_20 = arith.constant 1 : i32
      scf.for %scan3A_35 = %scan3A_17 to %scan3A_19 step %scan3A_20  : i32 {
        %mul3A_36 = arith.constant 2 : i32
        %mul3A_37 = arith.muli %mul3A_36, %scan3A_35 : i32
        %add3A = arith.constant 0 : i32
        %add3A_38 = arith.addi %mul3A_37, %add3A : i32
        %lt3A = arith.constant 125 : i32
        %lt3A_39 = arith.cmpi slt, %add3A_38, %lt3A : i32
        %convert_element_type3A_40 = arith.extui %lt3A_39 : i1 to i32
        %cond3A_41 = arith.constant 0 : i32
        %cond3A_42 = arith.cmpi ne, %convert_element_type3A_40, %cond3A_41 : i32
        scf.if %cond3A_42 {
          %mul3A_50 = arith.constant 80 : i32
          %mul3A_51 = arith.muli %add3A_38, %mul3A_50 : i32
          %dma_wait3A_52 = tpu.memref_slice %arg9[%mul3A_51] : memref<10000xi32, #tpu.memory_space<vmem>> -> memref<80xi32, #tpu.memory_space<vmem>>
          %dma_wait3A_53 = arith.constant 0 : i32
          %dma_wait3A_54 = arith.constant 0 : i32
          %dma_wait3A_55 = tpu.memref_slice %arg3[%dma_wait3A_53, %dma_wait3A_54] : memref<10000x128xf32, #tpu.memory_space<hbm>> -> memref<10000x128xf32, #tpu.memory_space<hbm>>
          tpu.wait_indirect_dma semaphore(%arg13 : memref<!tpu.dma_semaphore, #tpu.memory_space<semaphore_mem>>) src(%dma_wait3A_55 : memref<10000x128xf32, #tpu.memory_space<hbm>>) dst(%arg11 : memref<80x128xf32, #tpu.memory_space<vmem>>)
          %add3A_56 = arith.constant 1 : i32
          %add3A_57 = arith.addi %add3A_38, %add3A_56 : i32
          %lt3A_58 = arith.constant 125 : i32
          %lt3A_59 = arith.cmpi slt, %add3A_57, %lt3A_58 : i32
          %convert_element_type3A_60 = arith.extui %lt3A_59 : i1 to i32
          %cond3A_61 = arith.constant 0 : i32
          %cond3A_62 = arith.cmpi ne, %convert_element_type3A_60, %cond3A_61 : i32
          scf.if %cond3A_62 {
            %ge3A = arith.constant 1 : i32
            %ge3A_69 = arith.cmpi sge, %add3A_38, %ge3A : i32
            %convert_element_type3A_70 = arith.extui %ge3A_69 : i1 to i32
            %cond3A_71 = arith.constant 0 : i32
            %cond3A_72 = arith.cmpi ne, %convert_element_type3A_70, %cond3A_71 : i32
            scf.if %cond3A_72 {
              %sub3A = arith.constant 1 : i32
              %sub3A_81 = arith.subi %add3A_38, %sub3A : i32
              %dma_wait3A_82 = arith.constant 0 : i32
              %dma_wait3A_83 = tpu.memref_slice %arg10[%sub3A_81, %dma_wait3A_82] : memref<125x80xi32, #tpu.memory_space<vmem>> -> memref<1x80xi32, #tpu.memory_space<vmem>>
              %dma_wait3A_84 = tpu.memref_squeeze %dma_wait3A_83 : memref<1x80xi32, #tpu.memory_space<vmem>> -> memref<80xi32, #tpu.memory_space<vmem>>
              %dma_wait3A_85 = arith.constant 0 : i32
              %dma_wait3A_86 = arith.constant 0 : i32
              %dma_wait3A_87 = tpu.memref_slice %arg8[%dma_wait3A_85, %dma_wait3A_86] : memref<10240x128xf32, #tpu.memory_space<vmem_shared>> -> memref<10240x128xf32, #tpu.memory_space<vmem_shared>>
              tpu.wait_indirect_dma semaphore(%arg16 : memref<!tpu.dma_semaphore, #tpu.memory_space<semaphore_mem>>) src(%arg12 : memref<80x128xf32, #tpu.memory_space<vmem>>) dst(%dma_wait3A_87 : memref<10240x128xf32, #tpu.memory_space<vmem_shared>>)
            } else {
            }
            %add3A_73 = arith.constant 1 : i32
            %add3A_74 = arith.addi %add3A_38, %add3A_73 : i32
            %mul3A_75 = arith.constant 80 : i32
            %mul3A_76 = arith.muli %add3A_74, %mul3A_75 : i32
            %dma_start3A_77 = tpu.memref_slice %arg9[%mul3A_76] : memref<10000xi32, #tpu.memory_space<vmem>> -> memref<80xi32, #tpu.memory_space<vmem>>
            %dma_start3A_78 = arith.constant 0 : i32
            %dma_start3A_79 = arith.constant 0 : i32
            %dma_start3A_80 = tpu.memref_slice %arg3[%dma_start3A_78, %dma_start3A_79] : memref<10000x128xf32, #tpu.memory_space<hbm>> -> memref<10000x128xf32, #tpu.memory_space<hbm>>
            tpu.enqueue_indirect_dma source(%dma_start3A_80 : memref<10000x128xf32, #tpu.memory_space<hbm>>) target(%arg12 : memref<80x128xf32, #tpu.memory_space<vmem>>) offsets(%dma_start3A_77 : memref<80xi32, #tpu.memory_space<vmem>>) semaphore(%arg14 : memref<!tpu.dma_semaphore, #tpu.memory_space<semaphore_mem>>)
          } else {
          }
          %dma_start3A_63 = arith.constant 0 : i32
          %dma_start3A_64 = tpu.memref_slice %arg10[%add3A_38, %dma_start3A_63] : memref<125x80xi32, #tpu.memory_space<vmem>> -> memref<1x80xi32, #tpu.memory_space<vmem>>
          %dma_start3A_65 = tpu.memref_squeeze %dma_start3A_64 : memref<1x80xi32, #tpu.memory_space<vmem>> -> memref<80xi32, #tpu.memory_space<vmem>>
          %dma_start3A_66 = arith.constant 0 : i32
          %dma_start3A_67 = arith.constant 0 : i32
          %dma_start3A_68 = tpu.memref_slice %arg8[%dma_start3A_66, %dma_start3A_67] : memref<10240x128xf32, #tpu.memory_space<vmem_shared>> -> memref<10240x128xf32, #tpu.memory_space<vmem_shared>>
          tpu.enqueue_indirect_dma source(%arg11 : memref<80x128xf32, #tpu.memory_space<vmem>>) target(%dma_start3A_68 : memref<10240x128xf32, #tpu.memory_space<vmem_shared>>) offsets(%dma_start3A_65 : memref<80xi32, #tpu.memory_space<vmem>>) semaphore(%arg15 : memref<!tpu.dma_semaphore, #tpu.memory_space<semaphore_mem>>) {add = true}
        } else {
        }
        %add3A_43 = arith.constant 1 : i32
        %add3A_44 = arith.addi %mul3A_37, %add3A_43 : i32
        %lt3A_45 = arith.constant 125 : i32
        %lt3A_46 = arith.cmpi slt, %add3A_44, %lt3A_45 : i32
        %convert_element_type3A_47 = arith.extui %lt3A_46 : i1 to i32
        %cond3A_48 = arith.constant 0 : i32
        %cond3A_49 = arith.cmpi ne, %convert_element_type3A_47, %cond3A_48 : i32
        scf.if %cond3A_49 {
          %mul3A_50 = arith.constant 80 : i32
          %mul3A_51 = arith.muli %add3A_44, %mul3A_50 : i32
          %dma_wait3A_52 = tpu.memref_slice %arg9[%mul3A_51] : memref<10000xi32, #tpu.memory_space<vmem>> -> memref<80xi32, #tpu.memory_space<vmem>>
          %dma_wait3A_53 = arith.constant 0 : i32
          %dma_wait3A_54 = arith.constant 0 : i32
          %dma_wait3A_55 = tpu.memref_slice %arg3[%dma_wait3A_53, %dma_wait3A_54] : memref<10000x128xf32, #tpu.memory_space<hbm>> -> memref<10000x128xf32, #tpu.memory_space<hbm>>
          tpu.wait_indirect_dma semaphore(%arg14 : memref<!tpu.dma_semaphore, #tpu.memory_space<semaphore_mem>>) src(%dma_wait3A_55 : memref<10000x128xf32, #tpu.memory_space<hbm>>) dst(%arg12 : memref<80x128xf32, #tpu.memory_space<vmem>>)
          %add3A_56 = arith.constant 1 : i32
          %add3A_57 = arith.addi %add3A_44, %add3A_56 : i32
          %lt3A_58 = arith.constant 125 : i32
          %lt3A_59 = arith.cmpi slt, %add3A_57, %lt3A_58 : i32
          %convert_element_type3A_60 = arith.extui %lt3A_59 : i1 to i32
          %cond3A_61 = arith.constant 0 : i32
          %cond3A_62 = arith.cmpi ne, %convert_element_type3A_60, %cond3A_61 : i32
          scf.if %cond3A_62 {
            %ge3A = arith.constant 1 : i32
            %ge3A_69 = arith.cmpi sge, %add3A_44, %ge3A : i32
            %convert_element_type3A_70 = arith.extui %ge3A_69 : i1 to i32
            %cond3A_71 = arith.constant 0 : i32
            %cond3A_72 = arith.cmpi ne, %convert_element_type3A_70, %cond3A_71 : i32
            scf.if %cond3A_72 {
              %sub3A = arith.constant 1 : i32
              %sub3A_81 = arith.subi %add3A_44, %sub3A : i32
              %dma_wait3A_82 = arith.constant 0 : i32
              %dma_wait3A_83 = tpu.memref_slice %arg10[%sub3A_81, %dma_wait3A_82] : memref<125x80xi32, #tpu.memory_space<vmem>> -> memref<1x80xi32, #tpu.memory_space<vmem>>
              %dma_wait3A_84 = tpu.memref_squeeze %dma_wait3A_83 : memref<1x80xi32, #tpu.memory_space<vmem>> -> memref<80xi32, #tpu.memory_space<vmem>>
              %dma_wait3A_85 = arith.constant 0 : i32
              %dma_wait3A_86 = arith.constant 0 : i32
              %dma_wait3A_87 = tpu.memref_slice %arg8[%dma_wait3A_85, %dma_wait3A_86] : memref<10240x128xf32, #tpu.memory_space<vmem_shared>> -> memref<10240x128xf32, #tpu.memory_space<vmem_shared>>
              tpu.wait_indirect_dma semaphore(%arg15 : memref<!tpu.dma_semaphore, #tpu.memory_space<semaphore_mem>>) src(%arg11 : memref<80x128xf32, #tpu.memory_space<vmem>>) dst(%dma_wait3A_87 : memref<10240x128xf32, #tpu.memory_space<vmem_shared>>)
            } else {
            }
            %add3A_73 = arith.constant 1 : i32
            %add3A_74 = arith.addi %add3A_44, %add3A_73 : i32
            %mul3A_75 = arith.constant 80 : i32
            %mul3A_76 = arith.muli %add3A_74, %mul3A_75 : i32
            %dma_start3A_77 = tpu.memref_slice %arg9[%mul3A_76] : memref<10000xi32, #tpu.memory_space<vmem>> -> memref<80xi32, #tpu.memory_space<vmem>>
            %dma_start3A_78 = arith.constant 0 : i32
            %dma_start3A_79 = arith.constant 0 : i32
            %dma_start3A_80 = tpu.memref_slice %arg3[%dma_start3A_78, %dma_start3A_79] : memref<10000x128xf32, #tpu.memory_space<hbm>> -> memref<10000x128xf32, #tpu.memory_space<hbm>>
            tpu.enqueue_indirect_dma source(%dma_start3A_80 : memref<10000x128xf32, #tpu.memory_space<hbm>>) target(%arg11 : memref<80x128xf32, #tpu.memory_space<vmem>>) offsets(%dma_start3A_77 : memref<80xi32, #tpu.memory_space<vmem>>) semaphore(%arg13 : memref<!tpu.dma_semaphore, #tpu.memory_space<semaphore_mem>>)
          } else {
          }
          %dma_start3A_63 = arith.constant 0 : i32
          %dma_start3A_64 = tpu.memref_slice %arg10[%add3A_44, %dma_start3A_63] : memref<125x80xi32, #tpu.memory_space<vmem>> -> memref<1x80xi32, #tpu.memory_space<vmem>>
          %dma_start3A_65 = tpu.memref_squeeze %dma_start3A_64 : memref<1x80xi32, #tpu.memory_space<vmem>> -> memref<80xi32, #tpu.memory_space<vmem>>
          %dma_start3A_66 = arith.constant 0 : i32
          %dma_start3A_67 = arith.constant 0 : i32
          %dma_start3A_68 = tpu.memref_slice %arg8[%dma_start3A_66, %dma_start3A_67] : memref<10240x128xf32, #tpu.memory_space<vmem_shared>> -> memref<10240x128xf32, #tpu.memory_space<vmem_shared>>
          tpu.enqueue_indirect_dma source(%arg12 : memref<80x128xf32, #tpu.memory_space<vmem>>) target(%dma_start3A_68 : memref<10240x128xf32, #tpu.memory_space<vmem_shared>>) offsets(%dma_start3A_65 : memref<80xi32, #tpu.memory_space<vmem>>) semaphore(%arg16 : memref<!tpu.dma_semaphore, #tpu.memory_space<semaphore_mem>>) {add = true}
        } else {
        }
      }
      %scan3A_21 = arith.constant 63 : i32
      %dma_wait3A = arith.constant 124 : i32
      %dma_wait3A_22 = arith.constant 0 : i32
      %dma_wait3A_23 = tpu.memref_slice %arg10[%dma_wait3A, %dma_wait3A_22] : memref<125x80xi32, #tpu.memory_space<vmem>> -> memref<1x80xi32, #tpu.memory_space<vmem>>
      %dma_wait3A_24 = tpu.memref_squeeze %dma_wait3A_23 : memref<1x80xi32, #tpu.memory_space<vmem>> -> memref<80xi32, #tpu.memory_space<vmem>>
      %dma_wait3A_25 = arith.constant 0 : i32
      %dma_wait3A_26 = arith.constant 0 : i32
      %dma_wait3A_27 = tpu.memref_slice %arg8[%dma_wait3A_25, %dma_wait3A_26] : memref<10240x128xf32, #tpu.memory_space<vmem_shared>> -> memref<10240x128xf32, #tpu.memory_space<vmem_shared>>
      tpu.wait_indirect_dma semaphore(%arg15 : memref<!tpu.dma_semaphore, #tpu.memory_space<semaphore_mem>>) src(%arg11 : memref<80x128xf32, #tpu.memory_space<vmem>>) dst(%dma_wait3A_27 : memref<10240x128xf32, #tpu.memory_space<vmem_shared>>)
      %dma_wait3A_28 = arith.constant 123 : i32
      %dma_wait3A_29 = arith.constant 0 : i32
      %dma_wait3A_30 = tpu.memref_slice %arg10[%dma_wait3A_28, %dma_wait3A_29] : memref<125x80xi32, #tpu.memory_space<vmem>> -> memref<1x80xi32, #tpu.memory_space<vmem>>
      %dma_wait3A_31 = tpu.memref_squeeze %dma_wait3A_30 : memref<1x80xi32, #tpu.memory_space<vmem>> -> memref<80xi32, #tpu.memory_space<vmem>>
      %dma_wait3A_32 = arith.constant 0 : i32
      %dma_wait3A_33 = arith.constant 0 : i32
      %dma_wait3A_34 = tpu.memref_slice %arg8[%dma_wait3A_32, %dma_wait3A_33] : memref<10240x128xf32, #tpu.memory_space<vmem_shared>> -> memref<10240x128xf32, #tpu.memory_space<vmem_shared>>
      tpu.wait_indirect_dma semaphore(%arg16 : memref<!tpu.dma_semaphore, #tpu.memory_space<semaphore_mem>>) src(%arg12 : memref<80x128xf32, #tpu.memory_space<vmem>>) dst(%dma_wait3A_34 : memref<10240x128xf32, #tpu.memory_space<vmem_shared>>)
    } else {
    }
    %barrier3A_8 = arith.constant 0 : index
    tpu.barrier barrier_id(%barrier3A_8)
    %mul3A_9 = arith.constant 640 : i32
    %mul3A_10 = arith.muli %arg1, %mul3A_9 : i32
    %mul3A_11 = arith.constant 640 : i32
    %mul3A_12 = arith.muli %arg1, %mul3A_11 : i32
    "tpu.region"() ({
      %run_scoped3A = tpu.sem_alloc : memref<!tpu.dma_semaphore, #tpu.memory_space<semaphore_mem>>
      %dma_start3A = arith.constant 0 : i32
      %dma_start3A_13 = tpu.memref_slice %arg7[%arg0, %mul3A_12, %dma_start3A] : memref<2x10240x128xf32, #tpu.memory_space<hbm>> -> memref<1x640x128xf32, #tpu.memory_space<hbm>>
      %dma_start3A_14 = tpu.memref_squeeze %dma_start3A_13 : memref<1x640x128xf32, #tpu.memory_space<hbm>> -> memref<640x128xf32, #tpu.memory_space<hbm>>
      %dma_start3A_15 = arith.constant 0 : i32
      %dma_start3A_16 = tpu.memref_slice %arg8[%mul3A_10, %dma_start3A_15] : memref<10240x128xf32, #tpu.memory_space<vmem_shared>> -> memref<640x128xf32, #tpu.memory_space<vmem_shared>>
      tpu.enqueue_dma source(%dma_start3A_16 : memref<640x128xf32, #tpu.memory_space<vmem_shared>>) target(%dma_start3A_14 : memref<640x128xf32, #tpu.memory_space<hbm>>) target_semaphore(%run_scoped3A : memref<!tpu.dma_semaphore, #tpu.memory_space<semaphore_mem>>)
      %dma_wait3A = arith.constant 0 : i32
      %dma_wait3A_17 = tpu.memref_slice %arg7[%arg0, %mul3A_12, %dma_wait3A] : memref<2x10240x128xf32, #tpu.memory_space<hbm>> -> memref<1x640x128xf32, #tpu.memory_space<hbm>>
      %dma_wait3A_18 = tpu.memref_squeeze %dma_wait3A_17 : memref<1x640x128xf32, #tpu.memory_space<hbm>> -> memref<640x128xf32, #tpu.memory_space<hbm>>
      %dma_wait3A_19 = arith.constant 0 : i32
      %dma_wait3A_20 = tpu.memref_slice %arg8[%mul3A_10, %dma_wait3A_19] : memref<10240x128xf32, #tpu.memory_space<vmem_shared>> -> memref<640x128xf32, #tpu.memory_space<vmem_shared>>
      tpu.wait_dma2 semaphore(%run_scoped3A : memref<!tpu.dma_semaphore, #tpu.memory_space<semaphore_mem>>) src(%dma_wait3A_20 : memref<640x128xf32, #tpu.memory_space<vmem_shared>>) dst(%dma_wait3A_18 : memref<640x128xf32, #tpu.memory_space<hbm>>)
      tpu.yield
    }) : () -> ()
    return
  }
}

#map = affine_map<(d0, d1) -> (0, 0)>
#map1 = affine_map<(d0, d1) -> (0, 0, 0, 0)>
#map2 = affine_map<(d0, d1) -> (0, 0, 0)>
module attributes {stable_mosaic.version = 14 : i64} {
  func.func @agg_kernel(%arg0: i32, %arg1: i32, %arg2: memref<10000x128xf32, #tpu.memory_space<hbm>>, %arg3: memref<2x16x40x125xi32, #tpu.memory_space<hbm>>, %arg4: memref<2x16x40x125xi32, #tpu.memory_space<hbm>>, %arg5: memref<640x128xf32, #tpu.memory_space<hbm>>, %arg6: memref<2x10240x128xf32, #tpu.memory_space<hbm>>, %arg7: memref<10240x128xf32, #tpu.memory_space<vmem_shared>>, %arg8: memref<40x125xi32, #tpu.memory_space<vmem>>, %arg9: memref<40x125xi32, #tpu.memory_space<vmem>>, %arg10: memref<125x128xf32, #tpu.memory_space<vmem>>, %arg11: memref<125x128xf32, #tpu.memory_space<vmem>>, %arg12: memref<!tpu.dma_semaphore, #tpu.memory_space<semaphore_mem>>, %arg13: memref<!tpu.dma_semaphore, #tpu.memory_space<semaphore_mem>>, %arg14: memref<!tpu.dma_semaphore, #tpu.memory_space<semaphore_mem>>, %arg15: memref<!tpu.dma_semaphore, #tpu.memory_space<semaphore_mem>>) attributes {dimension_semantics = [#tpu.dimension_semantics<core_parallel>, #tpu.dimension_semantics<subcore_parallel>], iteration_bounds = array<i64: 2, 16>, scalar_prefetch = 0 : i64, scratch_operands = 9 : i64, tpu.core_type = #tpu.core_type<sc_vector_subcore>, window_params = [{transform_indices = #map}, {transform_indices = #map1}, {transform_indices = #map1}, {transform_indices = #map}, {transform_indices = #map2}]} {
    %mul3A = arith.constant 640 : i32
    %mul3A_0 = arith.muli %arg1, %mul3A : i32
    "tpu.region"() ({
      %run_scoped3A = tpu.sem_alloc : memref<!tpu.dma_semaphore, #tpu.memory_space<semaphore_mem>>
      %dma_start3A_30 = arith.constant 0 : i32
      %dma_start3A_31 = tpu.memref_slice %arg7[%mul3A_0, %dma_start3A_30] : memref<10240x128xf32, #tpu.memory_space<vmem_shared>> -> memref<640x128xf32, #tpu.memory_space<vmem_shared>>
      tpu.enqueue_dma source(%arg5 : memref<640x128xf32, #tpu.memory_space<hbm>>) target(%dma_start3A_31 : memref<640x128xf32, #tpu.memory_space<vmem_shared>>) target_semaphore(%run_scoped3A : memref<!tpu.dma_semaphore, #tpu.memory_space<semaphore_mem>>)
      %dma_wait3A_32 = arith.constant 0 : i32
      %dma_wait3A_33 = tpu.memref_slice %arg7[%mul3A_0, %dma_wait3A_32] : memref<10240x128xf32, #tpu.memory_space<vmem_shared>> -> memref<640x128xf32, #tpu.memory_space<vmem_shared>>
      tpu.wait_dma2 semaphore(%run_scoped3A : memref<!tpu.dma_semaphore, #tpu.memory_space<semaphore_mem>>) src(%arg5 : memref<640x128xf32, #tpu.memory_space<hbm>>) dst(%dma_wait3A_33 : memref<640x128xf32, #tpu.memory_space<vmem_shared>>)
      tpu.yield
    }) : () -> ()
    "tpu.region"() ({
      %run_scoped3A = tpu.sem_alloc : memref<!tpu.dma_semaphore, #tpu.memory_space<semaphore_mem>>
      %dma_start3A_30 = arith.constant 0 : i32
      %dma_start3A_31 = arith.constant 0 : i32
      %dma_start3A_32 = tpu.memref_slice %arg3[%arg0, %arg1, %dma_start3A_30, %dma_start3A_31] : memref<2x16x40x125xi32, #tpu.memory_space<hbm>> -> memref<1x1x40x125xi32, #tpu.memory_space<hbm>>
      %dma_start3A_33 = tpu.memref_squeeze %dma_start3A_32 : memref<1x1x40x125xi32, #tpu.memory_space<hbm>> -> memref<40x125xi32, #tpu.memory_space<hbm>>
      %dma_start3A_34 = arith.constant 0 : i32
      %dma_start3A_35 = arith.constant 0 : i32
      %dma_start3A_36 = tpu.memref_slice %arg3[%arg0, %arg1, %dma_start3A_34, %dma_start3A_35] : memref<2x16x40x125xi32, #tpu.memory_space<hbm>> -> memref<1x1x40x125xi32, #tpu.memory_space<hbm>>
      %dma_start3A_37 = tpu.memref_squeeze %dma_start3A_36 : memref<1x1x40x125xi32, #tpu.memory_space<hbm>> -> memref<40x125xi32, #tpu.memory_space<hbm>>
      tpu.enqueue_dma source(%dma_start3A_37 : memref<40x125xi32, #tpu.memory_space<hbm>>) target(%arg8 : memref<40x125xi32, #tpu.memory_space<vmem>>) target_semaphore(%run_scoped3A : memref<!tpu.dma_semaphore, #tpu.memory_space<semaphore_mem>>)
      %dma_wait3A_38 = arith.constant 0 : i32
      %dma_wait3A_39 = arith.constant 0 : i32
      %dma_wait3A_40 = tpu.memref_slice %arg3[%arg0, %arg1, %dma_wait3A_38, %dma_wait3A_39] : memref<2x16x40x125xi32, #tpu.memory_space<hbm>> -> memref<1x1x40x125xi32, #tpu.memory_space<hbm>>
      %dma_wait3A_41 = tpu.memref_squeeze %dma_wait3A_40 : memref<1x1x40x125xi32, #tpu.memory_space<hbm>> -> memref<40x125xi32, #tpu.memory_space<hbm>>
      %dma_wait3A_42 = arith.constant 0 : i32
      %dma_wait3A_43 = arith.constant 0 : i32
      %dma_wait3A_44 = tpu.memref_slice %arg3[%arg0, %arg1, %dma_wait3A_42, %dma_wait3A_43] : memref<2x16x40x125xi32, #tpu.memory_space<hbm>> -> memref<1x1x40x125xi32, #tpu.memory_space<hbm>>
      %dma_wait3A_45 = tpu.memref_squeeze %dma_wait3A_44 : memref<1x1x40x125xi32, #tpu.memory_space<hbm>> -> memref<40x125xi32, #tpu.memory_space<hbm>>
      tpu.wait_dma2 semaphore(%run_scoped3A : memref<!tpu.dma_semaphore, #tpu.memory_space<semaphore_mem>>) src(%dma_wait3A_45 : memref<40x125xi32, #tpu.memory_space<hbm>>) dst(%arg8 : memref<40x125xi32, #tpu.memory_space<vmem>>)
      tpu.yield
    }) : () -> ()
    "tpu.region"() ({
      %run_scoped3A = tpu.sem_alloc : memref<!tpu.dma_semaphore, #tpu.memory_space<semaphore_mem>>
      %dma_start3A_30 = arith.constant 0 : i32
      %dma_start3A_31 = arith.constant 0 : i32
      %dma_start3A_32 = tpu.memref_slice %arg4[%arg0, %arg1, %dma_start3A_30, %dma_start3A_31] : memref<2x16x40x125xi32, #tpu.memory_space<hbm>> -> memref<1x1x40x125xi32, #tpu.memory_space<hbm>>
      %dma_start3A_33 = tpu.memref_squeeze %dma_start3A_32 : memref<1x1x40x125xi32, #tpu.memory_space<hbm>> -> memref<40x125xi32, #tpu.memory_space<hbm>>
      %dma_start3A_34 = arith.constant 0 : i32
      %dma_start3A_35 = arith.constant 0 : i32
      %dma_start3A_36 = tpu.memref_slice %arg4[%arg0, %arg1, %dma_start3A_34, %dma_start3A_35] : memref<2x16x40x125xi32, #tpu.memory_space<hbm>> -> memref<1x1x40x125xi32, #tpu.memory_space<hbm>>
      %dma_start3A_37 = tpu.memref_squeeze %dma_start3A_36 : memref<1x1x40x125xi32, #tpu.memory_space<hbm>> -> memref<40x125xi32, #tpu.memory_space<hbm>>
      tpu.enqueue_dma source(%dma_start3A_37 : memref<40x125xi32, #tpu.memory_space<hbm>>) target(%arg9 : memref<40x125xi32, #tpu.memory_space<vmem>>) target_semaphore(%run_scoped3A : memref<!tpu.dma_semaphore, #tpu.memory_space<semaphore_mem>>)
      %dma_wait3A_38 = arith.constant 0 : i32
      %dma_wait3A_39 = arith.constant 0 : i32
      %dma_wait3A_40 = tpu.memref_slice %arg4[%arg0, %arg1, %dma_wait3A_38, %dma_wait3A_39] : memref<2x16x40x125xi32, #tpu.memory_space<hbm>> -> memref<1x1x40x125xi32, #tpu.memory_space<hbm>>
      %dma_wait3A_41 = tpu.memref_squeeze %dma_wait3A_40 : memref<1x1x40x125xi32, #tpu.memory_space<hbm>> -> memref<40x125xi32, #tpu.memory_space<hbm>>
      %dma_wait3A_42 = arith.constant 0 : i32
      %dma_wait3A_43 = arith.constant 0 : i32
      %dma_wait3A_44 = tpu.memref_slice %arg4[%arg0, %arg1, %dma_wait3A_42, %dma_wait3A_43] : memref<2x16x40x125xi32, #tpu.memory_space<hbm>> -> memref<1x1x40x125xi32, #tpu.memory_space<hbm>>
      %dma_wait3A_45 = tpu.memref_squeeze %dma_wait3A_44 : memref<1x1x40x125xi32, #tpu.memory_space<hbm>> -> memref<40x125xi32, #tpu.memory_space<hbm>>
      tpu.wait_dma2 semaphore(%run_scoped3A : memref<!tpu.dma_semaphore, #tpu.memory_space<semaphore_mem>>) src(%dma_wait3A_45 : memref<40x125xi32, #tpu.memory_space<hbm>>) dst(%arg9 : memref<40x125xi32, #tpu.memory_space<vmem>>)
      tpu.yield
    }) : () -> ()
    %barrier3A = arith.constant 0 : index
    tpu.barrier barrier_id(%barrier3A)
    %dma_start3A = arith.constant 0 : i32
    %dma_start3A_1 = arith.constant 0 : i32
    %dma_start3A_2 = tpu.memref_slice %arg8[%dma_start3A, %dma_start3A_1] : memref<40x125xi32, #tpu.memory_space<vmem>> -> memref<1x125xi32, #tpu.memory_space<vmem>>
    %dma_start3A_3 = tpu.memref_squeeze %dma_start3A_2 : memref<1x125xi32, #tpu.memory_space<vmem>> -> memref<125xi32, #tpu.memory_space<vmem>>
    %dma_start3A_4 = arith.constant 0 : i32
    %dma_start3A_5 = arith.constant 0 : i32
    %dma_start3A_6 = tpu.memref_slice %arg2[%dma_start3A_4, %dma_start3A_5] : memref<10000x128xf32, #tpu.memory_space<hbm>> -> memref<10000x128xf32, #tpu.memory_space<hbm>>
    tpu.enqueue_indirect_dma source(%dma_start3A_6 : memref<10000x128xf32, #tpu.memory_space<hbm>>) target(%arg10 : memref<125x128xf32, #tpu.memory_space<vmem>>) offsets(%dma_start3A_3 : memref<125xi32, #tpu.memory_space<vmem>>) semaphore(%arg12 : memref<!tpu.dma_semaphore, #tpu.memory_space<semaphore_mem>>)
    %scan3A = arith.constant 0 : i32
    %scan3A_7 = arith.constant 0 : i32
    %scan3A_8 = arith.constant 20 : i32
    %scan3A_9 = arith.addi %scan3A_7, %scan3A_8 : i32
    %scan3A_10 = arith.constant 1 : i32
    scf.for %scan3A_30 = %scan3A_7 to %scan3A_9 step %scan3A_10  : i32 {
      %mul3A_31 = arith.constant 2 : i32
      %mul3A_32 = arith.muli %mul3A_31, %scan3A_30 : i32
      %add3A = arith.constant 0 : i32
      %add3A_33 = arith.addi %mul3A_32, %add3A : i32
      %lt3A = arith.constant 40 : i32
      %lt3A_34 = arith.cmpi slt, %add3A_33, %lt3A : i32
      %convert_element_type3A = arith.extui %lt3A_34 : i1 to i32
      %cond3A = arith.constant 0 : i32
      %cond3A_35 = arith.cmpi ne, %convert_element_type3A, %cond3A : i32
      scf.if %cond3A_35 {
        %dma_wait3A_43 = arith.constant 0 : i32
        %dma_wait3A_44 = tpu.memref_slice %arg8[%add3A_33, %dma_wait3A_43] : memref<40x125xi32, #tpu.memory_space<vmem>> -> memref<1x125xi32, #tpu.memory_space<vmem>>
        %dma_wait3A_45 = tpu.memref_squeeze %dma_wait3A_44 : memref<1x125xi32, #tpu.memory_space<vmem>> -> memref<125xi32, #tpu.memory_space<vmem>>
        %dma_wait3A_46 = arith.constant 0 : i32
        %dma_wait3A_47 = arith.constant 0 : i32
        %dma_wait3A_48 = tpu.memref_slice %arg2[%dma_wait3A_46, %dma_wait3A_47] : memref<10000x128xf32, #tpu.memory_space<hbm>> -> memref<10000x128xf32, #tpu.memory_space<hbm>>
        tpu.wait_indirect_dma semaphore(%arg12 : memref<!tpu.dma_semaphore, #tpu.memory_space<semaphore_mem>>) src(%dma_wait3A_48 : memref<10000x128xf32, #tpu.memory_space<hbm>>) dst(%arg10 : memref<125x128xf32, #tpu.memory_space<vmem>>)
        %add3A_49 = arith.constant 1 : i32
        %add3A_50 = arith.addi %add3A_33, %add3A_49 : i32
        %lt3A_51 = arith.constant 40 : i32
        %lt3A_52 = arith.cmpi slt, %add3A_50, %lt3A_51 : i32
        %convert_element_type3A_53 = arith.extui %lt3A_52 : i1 to i32
        %cond3A_54 = arith.constant 0 : i32
        %cond3A_55 = arith.cmpi ne, %convert_element_type3A_53, %cond3A_54 : i32
        scf.if %cond3A_55 {
          %ge3A = arith.constant 1 : i32
          %ge3A_62 = arith.cmpi sge, %add3A_33, %ge3A : i32
          %convert_element_type3A_63 = arith.extui %ge3A_62 : i1 to i32
          %cond3A_64 = arith.constant 0 : i32
          %cond3A_65 = arith.cmpi ne, %convert_element_type3A_63, %cond3A_64 : i32
          scf.if %cond3A_65 {
            %sub3A = arith.constant 1 : i32
            %sub3A_74 = arith.subi %add3A_33, %sub3A : i32
            %dma_wait3A_75 = arith.constant 0 : i32
            %dma_wait3A_76 = tpu.memref_slice %arg9[%sub3A_74, %dma_wait3A_75] : memref<40x125xi32, #tpu.memory_space<vmem>> -> memref<1x125xi32, #tpu.memory_space<vmem>>
            %dma_wait3A_77 = tpu.memref_squeeze %dma_wait3A_76 : memref<1x125xi32, #tpu.memory_space<vmem>> -> memref<125xi32, #tpu.memory_space<vmem>>
            %dma_wait3A_78 = arith.constant 0 : i32
            %dma_wait3A_79 = arith.constant 0 : i32
            %dma_wait3A_80 = tpu.memref_slice %arg7[%dma_wait3A_78, %dma_wait3A_79] : memref<10240x128xf32, #tpu.memory_space<vmem_shared>> -> memref<10240x128xf32, #tpu.memory_space<vmem_shared>>
            tpu.wait_indirect_dma semaphore(%arg15 : memref<!tpu.dma_semaphore, #tpu.memory_space<semaphore_mem>>) src(%arg11 : memref<125x128xf32, #tpu.memory_space<vmem>>) dst(%dma_wait3A_80 : memref<10240x128xf32, #tpu.memory_space<vmem_shared>>)
          } else {
          }
          %add3A_66 = arith.constant 1 : i32
          %add3A_67 = arith.addi %add3A_33, %add3A_66 : i32
          %dma_start3A_68 = arith.constant 0 : i32
          %dma_start3A_69 = tpu.memref_slice %arg8[%add3A_67, %dma_start3A_68] : memref<40x125xi32, #tpu.memory_space<vmem>> -> memref<1x125xi32, #tpu.memory_space<vmem>>
          %dma_start3A_70 = tpu.memref_squeeze %dma_start3A_69 : memref<1x125xi32, #tpu.memory_space<vmem>> -> memref<125xi32, #tpu.memory_space<vmem>>
          %dma_start3A_71 = arith.constant 0 : i32
          %dma_start3A_72 = arith.constant 0 : i32
          %dma_start3A_73 = tpu.memref_slice %arg2[%dma_start3A_71, %dma_start3A_72] : memref<10000x128xf32, #tpu.memory_space<hbm>> -> memref<10000x128xf32, #tpu.memory_space<hbm>>
          tpu.enqueue_indirect_dma source(%dma_start3A_73 : memref<10000x128xf32, #tpu.memory_space<hbm>>) target(%arg11 : memref<125x128xf32, #tpu.memory_space<vmem>>) offsets(%dma_start3A_70 : memref<125xi32, #tpu.memory_space<vmem>>) semaphore(%arg13 : memref<!tpu.dma_semaphore, #tpu.memory_space<semaphore_mem>>)
        } else {
        }
        %dma_start3A_56 = arith.constant 0 : i32
        %dma_start3A_57 = tpu.memref_slice %arg9[%add3A_33, %dma_start3A_56] : memref<40x125xi32, #tpu.memory_space<vmem>> -> memref<1x125xi32, #tpu.memory_space<vmem>>
        %dma_start3A_58 = tpu.memref_squeeze %dma_start3A_57 : memref<1x125xi32, #tpu.memory_space<vmem>> -> memref<125xi32, #tpu.memory_space<vmem>>
        %dma_start3A_59 = arith.constant 0 : i32
        %dma_start3A_60 = arith.constant 0 : i32
        %dma_start3A_61 = tpu.memref_slice %arg7[%dma_start3A_59, %dma_start3A_60] : memref<10240x128xf32, #tpu.memory_space<vmem_shared>> -> memref<10240x128xf32, #tpu.memory_space<vmem_shared>>
        tpu.enqueue_indirect_dma source(%arg10 : memref<125x128xf32, #tpu.memory_space<vmem>>) target(%dma_start3A_61 : memref<10240x128xf32, #tpu.memory_space<vmem_shared>>) offsets(%dma_start3A_58 : memref<125xi32, #tpu.memory_space<vmem>>) semaphore(%arg14 : memref<!tpu.dma_semaphore, #tpu.memory_space<semaphore_mem>>) {add = true}
      } else {
      }
      %add3A_36 = arith.constant 1 : i32
      %add3A_37 = arith.addi %mul3A_32, %add3A_36 : i32
      %lt3A_38 = arith.constant 40 : i32
      %lt3A_39 = arith.cmpi slt, %add3A_37, %lt3A_38 : i32
      %convert_element_type3A_40 = arith.extui %lt3A_39 : i1 to i32
      %cond3A_41 = arith.constant 0 : i32
      %cond3A_42 = arith.cmpi ne, %convert_element_type3A_40, %cond3A_41 : i32
      scf.if %cond3A_42 {
        %dma_wait3A_43 = arith.constant 0 : i32
        %dma_wait3A_44 = tpu.memref_slice %arg8[%add3A_37, %dma_wait3A_43] : memref<40x125xi32, #tpu.memory_space<vmem>> -> memref<1x125xi32, #tpu.memory_space<vmem>>
        %dma_wait3A_45 = tpu.memref_squeeze %dma_wait3A_44 : memref<1x125xi32, #tpu.memory_space<vmem>> -> memref<125xi32, #tpu.memory_space<vmem>>
        %dma_wait3A_46 = arith.constant 0 : i32
        %dma_wait3A_47 = arith.constant 0 : i32
        %dma_wait3A_48 = tpu.memref_slice %arg2[%dma_wait3A_46, %dma_wait3A_47] : memref<10000x128xf32, #tpu.memory_space<hbm>> -> memref<10000x128xf32, #tpu.memory_space<hbm>>
        tpu.wait_indirect_dma semaphore(%arg13 : memref<!tpu.dma_semaphore, #tpu.memory_space<semaphore_mem>>) src(%dma_wait3A_48 : memref<10000x128xf32, #tpu.memory_space<hbm>>) dst(%arg11 : memref<125x128xf32, #tpu.memory_space<vmem>>)
        %add3A_49 = arith.constant 1 : i32
        %add3A_50 = arith.addi %add3A_37, %add3A_49 : i32
        %lt3A_51 = arith.constant 40 : i32
        %lt3A_52 = arith.cmpi slt, %add3A_50, %lt3A_51 : i32
        %convert_element_type3A_53 = arith.extui %lt3A_52 : i1 to i32
        %cond3A_54 = arith.constant 0 : i32
        %cond3A_55 = arith.cmpi ne, %convert_element_type3A_53, %cond3A_54 : i32
        scf.if %cond3A_55 {
          %ge3A = arith.constant 1 : i32
          %ge3A_62 = arith.cmpi sge, %add3A_37, %ge3A : i32
          %convert_element_type3A_63 = arith.extui %ge3A_62 : i1 to i32
          %cond3A_64 = arith.constant 0 : i32
          %cond3A_65 = arith.cmpi ne, %convert_element_type3A_63, %cond3A_64 : i32
          scf.if %cond3A_65 {
            %sub3A = arith.constant 1 : i32
            %sub3A_74 = arith.subi %add3A_37, %sub3A : i32
            %dma_wait3A_75 = arith.constant 0 : i32
            %dma_wait3A_76 = tpu.memref_slice %arg9[%sub3A_74, %dma_wait3A_75] : memref<40x125xi32, #tpu.memory_space<vmem>> -> memref<1x125xi32, #tpu.memory_space<vmem>>
            %dma_wait3A_77 = tpu.memref_squeeze %dma_wait3A_76 : memref<1x125xi32, #tpu.memory_space<vmem>> -> memref<125xi32, #tpu.memory_space<vmem>>
            %dma_wait3A_78 = arith.constant 0 : i32
            %dma_wait3A_79 = arith.constant 0 : i32
            %dma_wait3A_80 = tpu.memref_slice %arg7[%dma_wait3A_78, %dma_wait3A_79] : memref<10240x128xf32, #tpu.memory_space<vmem_shared>> -> memref<10240x128xf32, #tpu.memory_space<vmem_shared>>
            tpu.wait_indirect_dma semaphore(%arg14 : memref<!tpu.dma_semaphore, #tpu.memory_space<semaphore_mem>>) src(%arg10 : memref<125x128xf32, #tpu.memory_space<vmem>>) dst(%dma_wait3A_80 : memref<10240x128xf32, #tpu.memory_space<vmem_shared>>)
          } else {
          }
          %add3A_66 = arith.constant 1 : i32
          %add3A_67 = arith.addi %add3A_37, %add3A_66 : i32
          %dma_start3A_68 = arith.constant 0 : i32
          %dma_start3A_69 = tpu.memref_slice %arg8[%add3A_67, %dma_start3A_68] : memref<40x125xi32, #tpu.memory_space<vmem>> -> memref<1x125xi32, #tpu.memory_space<vmem>>
          %dma_start3A_70 = tpu.memref_squeeze %dma_start3A_69 : memref<1x125xi32, #tpu.memory_space<vmem>> -> memref<125xi32, #tpu.memory_space<vmem>>
          %dma_start3A_71 = arith.constant 0 : i32
          %dma_start3A_72 = arith.constant 0 : i32
          %dma_start3A_73 = tpu.memref_slice %arg2[%dma_start3A_71, %dma_start3A_72] : memref<10000x128xf32, #tpu.memory_space<hbm>> -> memref<10000x128xf32, #tpu.memory_space<hbm>>
          tpu.enqueue_indirect_dma source(%dma_start3A_73 : memref<10000x128xf32, #tpu.memory_space<hbm>>) target(%arg10 : memref<125x128xf32, #tpu.memory_space<vmem>>) offsets(%dma_start3A_70 : memref<125xi32, #tpu.memory_space<vmem>>) semaphore(%arg12 : memref<!tpu.dma_semaphore, #tpu.memory_space<semaphore_mem>>)
        } else {
        }
        %dma_start3A_56 = arith.constant 0 : i32
        %dma_start3A_57 = tpu.memref_slice %arg9[%add3A_37, %dma_start3A_56] : memref<40x125xi32, #tpu.memory_space<vmem>> -> memref<1x125xi32, #tpu.memory_space<vmem>>
        %dma_start3A_58 = tpu.memref_squeeze %dma_start3A_57 : memref<1x125xi32, #tpu.memory_space<vmem>> -> memref<125xi32, #tpu.memory_space<vmem>>
        %dma_start3A_59 = arith.constant 0 : i32
        %dma_start3A_60 = arith.constant 0 : i32
        %dma_start3A_61 = tpu.memref_slice %arg7[%dma_start3A_59, %dma_start3A_60] : memref<10240x128xf32, #tpu.memory_space<vmem_shared>> -> memref<10240x128xf32, #tpu.memory_space<vmem_shared>>
        tpu.enqueue_indirect_dma source(%arg11 : memref<125x128xf32, #tpu.memory_space<vmem>>) target(%dma_start3A_61 : memref<10240x128xf32, #tpu.memory_space<vmem_shared>>) offsets(%dma_start3A_58 : memref<125xi32, #tpu.memory_space<vmem>>) semaphore(%arg15 : memref<!tpu.dma_semaphore, #tpu.memory_space<semaphore_mem>>) {add = true}
      } else {
      }
    }
    %scan3A_11 = arith.constant 20 : i32
    %dma_wait3A = arith.constant 39 : i32
    %dma_wait3A_12 = arith.constant 0 : i32
    %dma_wait3A_13 = tpu.memref_slice %arg9[%dma_wait3A, %dma_wait3A_12] : memref<40x125xi32, #tpu.memory_space<vmem>> -> memref<1x125xi32, #tpu.memory_space<vmem>>
    %dma_wait3A_14 = tpu.memref_squeeze %dma_wait3A_13 : memref<1x125xi32, #tpu.memory_space<vmem>> -> memref<125xi32, #tpu.memory_space<vmem>>
    %dma_wait3A_15 = arith.constant 0 : i32
    %dma_wait3A_16 = arith.constant 0 : i32
    %dma_wait3A_17 = tpu.memref_slice %arg7[%dma_wait3A_15, %dma_wait3A_16] : memref<10240x128xf32, #tpu.memory_space<vmem_shared>> -> memref<10240x128xf32, #tpu.memory_space<vmem_shared>>
    tpu.wait_indirect_dma semaphore(%arg15 : memref<!tpu.dma_semaphore, #tpu.memory_space<semaphore_mem>>) src(%arg11 : memref<125x128xf32, #tpu.memory_space<vmem>>) dst(%dma_wait3A_17 : memref<10240x128xf32, #tpu.memory_space<vmem_shared>>)
    %dma_wait3A_18 = arith.constant 38 : i32
    %dma_wait3A_19 = arith.constant 0 : i32
    %dma_wait3A_20 = tpu.memref_slice %arg9[%dma_wait3A_18, %dma_wait3A_19] : memref<40x125xi32, #tpu.memory_space<vmem>> -> memref<1x125xi32, #tpu.memory_space<vmem>>
    %dma_wait3A_21 = tpu.memref_squeeze %dma_wait3A_20 : memref<1x125xi32, #tpu.memory_space<vmem>> -> memref<125xi32, #tpu.memory_space<vmem>>
    %dma_wait3A_22 = arith.constant 0 : i32
    %dma_wait3A_23 = arith.constant 0 : i32
    %dma_wait3A_24 = tpu.memref_slice %arg7[%dma_wait3A_22, %dma_wait3A_23] : memref<10240x128xf32, #tpu.memory_space<vmem_shared>> -> memref<10240x128xf32, #tpu.memory_space<vmem_shared>>
    tpu.wait_indirect_dma semaphore(%arg14 : memref<!tpu.dma_semaphore, #tpu.memory_space<semaphore_mem>>) src(%arg10 : memref<125x128xf32, #tpu.memory_space<vmem>>) dst(%dma_wait3A_24 : memref<10240x128xf32, #tpu.memory_space<vmem_shared>>)
    %barrier3A_25 = arith.constant 0 : index
    tpu.barrier barrier_id(%barrier3A_25)
    %mul3A_26 = arith.constant 640 : i32
    %mul3A_27 = arith.muli %arg1, %mul3A_26 : i32
    %mul3A_28 = arith.constant 640 : i32
    %mul3A_29 = arith.muli %arg1, %mul3A_28 : i32
    "tpu.region"() ({
      %run_scoped3A = tpu.sem_alloc : memref<!tpu.dma_semaphore, #tpu.memory_space<semaphore_mem>>
      %dma_start3A_30 = arith.constant 0 : i32
      %dma_start3A_31 = tpu.memref_slice %arg6[%arg0, %mul3A_29, %dma_start3A_30] : memref<2x10240x128xf32, #tpu.memory_space<hbm>> -> memref<1x640x128xf32, #tpu.memory_space<hbm>>
      %dma_start3A_32 = tpu.memref_squeeze %dma_start3A_31 : memref<1x640x128xf32, #tpu.memory_space<hbm>> -> memref<640x128xf32, #tpu.memory_space<hbm>>
      %dma_start3A_33 = arith.constant 0 : i32
      %dma_start3A_34 = tpu.memref_slice %arg7[%mul3A_27, %dma_start3A_33] : memref<10240x128xf32, #tpu.memory_space<vmem_shared>> -> memref<640x128xf32, #tpu.memory_space<vmem_shared>>
      tpu.enqueue_dma source(%dma_start3A_34 : memref<640x128xf32, #tpu.memory_space<vmem_shared>>) target(%dma_start3A_32 : memref<640x128xf32, #tpu.memory_space<hbm>>) target_semaphore(%run_scoped3A : memref<!tpu.dma_semaphore, #tpu.memory_space<semaphore_mem>>)
      %dma_wait3A_35 = arith.constant 0 : i32
      %dma_wait3A_36 = tpu.memref_slice %arg6[%arg0, %mul3A_29, %dma_wait3A_35] : memref<2x10240x128xf32, #tpu.memory_space<hbm>> -> memref<1x640x128xf32, #tpu.memory_space<hbm>>
      %dma_wait3A_37 = tpu.memref_squeeze %dma_wait3A_36 : memref<1x640x128xf32, #tpu.memory_space<hbm>> -> memref<640x128xf32, #tpu.memory_space<hbm>>
      %dma_wait3A_38 = arith.constant 0 : i32
      %dma_wait3A_39 = tpu.memref_slice %arg7[%mul3A_27, %dma_wait3A_38] : memref<10240x128xf32, #tpu.memory_space<vmem_shared>> -> memref<640x128xf32, #tpu.memory_space<vmem_shared>>
      tpu.wait_dma2 semaphore(%run_scoped3A : memref<!tpu.dma_semaphore, #tpu.memory_space<semaphore_mem>>) src(%dma_wait3A_39 : memref<640x128xf32, #tpu.memory_space<vmem_shared>>) dst(%dma_wait3A_37 : memref<640x128xf32, #tpu.memory_space<hbm>>)
      tpu.yield
    }) : () -> ()
    return
  }
}

module attributes {stable_mosaic.version = 14 : i64} {
  func.func @_tc1_body(%arg0: i32, %arg1: i32, %arg2: memref<1000x256xf32, #tpu.memory_space<vmem>>, %arg3: memref<256x128xf32, #tpu.memory_space<vmem>>, %arg4: memref<2x1000x128xf32, #tpu.memory_space<vmem>>, %arg5: memref<1x1000x128xf32, #tpu.memory_space<vmem>>, %arg6: memref<1000x8xf32, #tpu.memory_space<vmem>>) attributes {dimension_semantics = [#tpu.dimension_semantics<arbitrary>, #tpu.dimension_semantics<arbitrary>], iteration_bounds = array<i64: 2, 10>, scalar_prefetch = 0 : i64, scratch_operands = 0 : i64, tpu.core_type = #tpu.core_type<tc>, window_params = [{transform_indices = @transform_0, window_bounds = array<i64: 1000, 256>}, {transform_indices = @transform_1, window_bounds = array<i64: 256, 128>}, {transform_indices = @transform_2, window_bounds = array<i64: 2, 1000, 128>}, {transform_indices = @transform_3, window_bounds = array<i64: 1, 1000, 128>}, {transform_indices = @transform_4, window_bounds = array<i64: 1000, 8>}]} {
    %get3A = arith.constant 0 : index
    %get3A_0 = arith.constant 0 : index
    %get3A_1 = arith.constant 0 : index
    %get3A_2 = vector.load %arg4[%get3A, %get3A_0, %get3A_1] : memref<2x1000x128xf32, #tpu.memory_space<vmem>>, vector<2x1000x128xf32>
    %slice3A = vector.extract_strided_slice %get3A_2 {offsets = [0, 0, 0], sizes = [1, 1000, 1], strides = [1, 1, 1]} : vector<2x1000x128xf32> to vector<1x1000x1xf32>
    %squeeze3A = vector.shape_cast %slice3A : vector<1x1000x1xf32> to vector<1000x1xf32>
    %slice3A_3 = vector.extract_strided_slice %get3A_2 {offsets = [1, 0, 0], sizes = [1, 1000, 1], strides = [1, 1, 1]} : vector<2x1000x128xf32> to vector<1x1000x1xf32>
    %squeeze3A_4 = vector.shape_cast %slice3A_3 : vector<1x1000x1xf32> to vector<1000x1xf32>
    %add3A = arith.addf %squeeze3A, %squeeze3A_4 : vector<1000x1xf32>
    %add3A_5 = arith.constant 1.000000e+00 : f32
    %add3A_6 = vector.broadcast %add3A_5 : f32 to vector<1000x1xf32>
    %add3A_7 = arith.addf %add3A, %add3A_6 : vector<1000x1xf32>
    %rsqrt3A = math.rsqrt %add3A_7 : vector<1000x1xf32>
    %get3A_8 = arith.constant 0 : index
    %get3A_9 = arith.constant 0 : index
    %get3A_10 = vector.load %arg2[%get3A_8, %get3A_9] : memref<1000x256xf32, #tpu.memory_space<vmem>>, vector<1000x256xf32>
    %get3A_11 = arith.constant 0 : index
    %get3A_12 = arith.constant 0 : index
    %get3A_13 = vector.load %arg3[%get3A_11, %get3A_12] : memref<256x128xf32, #tpu.memory_space<vmem>>, vector<256x128xf32>
    %dot_general3A = arith.constant dense<0.000000e+00> : vector<1000x128xf32>
    %dot_general3A_14 = tpu.matmul %get3A_10, %get3A_13, %dot_general3A {dimension_numbers = #tpu.dot_dimension_numbers<[1], [0], [0], [1], [0, 0, 1, 1], [], []>, transpose_lhs_hint = false} : vector<1000x256xf32>, vector<256x128xf32>, vector<1000x128xf32> -> vector<1000x128xf32>
    %mul3A = vector.broadcast %rsqrt3A : vector<1000x1xf32> to vector<1000x128xf32>
    %mul3A_15 = arith.mulf %dot_general3A_14, %mul3A : vector<1000x128xf32>
    %broadcast_in_dim3A = vector.shape_cast %mul3A_15 : vector<1000x128xf32> to vector<1x1000x128xf32>
    %swap3A = arith.constant 0 : index
    %swap3A_16 = arith.constant 0 : index
    %swap3A_17 = arith.constant 0 : index
    %swap3A_18 = vector.load %arg5[%swap3A, %swap3A_16, %swap3A_17] : memref<1x1000x128xf32, #tpu.memory_space<vmem>>, vector<1x1000x128xf32>
    tpu.vector_store %arg5[%swap3A, %swap3A_16, %swap3A_17], %broadcast_in_dim3A {strides = array<i32>} : memref<1x1000x128xf32, #tpu.memory_space<vmem>>, vector<1x1000x128xf32>,
    %broadcast_in_dim3A_19 = vector.shape_cast %rsqrt3A : vector<1000x1xf32> to vector<1000x1xf32>
    %broadcast_in_dim3A_20 = vector.broadcast %broadcast_in_dim3A_19 : vector<1000x1xf32> to vector<1000x8xf32>
    %swap3A_21 = arith.constant 0 : index
    %swap3A_22 = arith.constant 0 : index
    %swap3A_23 = vector.load %arg6[%swap3A_21, %swap3A_22] : memref<1000x8xf32, #tpu.memory_space<vmem>>, vector<1000x8xf32>
    tpu.vector_store %arg6[%swap3A_21, %swap3A_22], %broadcast_in_dim3A_20 {strides = array<i32>} : memref<1000x8xf32, #tpu.memory_space<vmem>>, vector<1000x8xf32>,
    return
  }
  func.func @transform_0(%arg0: i32, %arg1: i32) -> (i32, i32) {
    %c0_i32 = arith.constant 0 : i32
    %c0_i32_0 = arith.constant 0 : i32
    return %arg1, %c0_i32 : i32, i32
  }
  func.func @transform_1(%arg0: i32, %arg1: i32) -> (i32, i32) {
    %c0_i32 = arith.constant 0 : i32
    %c0_i32_0 = arith.constant 0 : i32
    return %c0_i32, %arg0 : i32, i32
  }
  func.func @transform_2(%arg0: i32, %arg1: i32) -> (i32, i32, i32) {
    %c0_i32 = arith.constant 0 : i32
    %c0_i32_0 = arith.constant 0 : i32
    %c0_i32_1 = arith.constant 0 : i32
    return %c0_i32, %arg1, %c0_i32_0 : i32, i32, i32
  }
  func.func @transform_3(%arg0: i32, %arg1: i32) -> (i32, i32, i32) {
    %c0_i32 = arith.constant 0 : i32
    %c0_i32_0 = arith.constant 0 : i32
    return %arg0, %arg1, %c0_i32 : i32, i32, i32
  }
  func.func @transform_4(%arg0: i32, %arg1: i32) -> (i32, i32) {
    %c0_i32 = arith.constant 0 : i32
    %c0_i32_0 = arith.constant 0 : i32
    return %arg1, %c0_i32 : i32, i32
  }
}

module attributes {stable_mosaic.version = 14 : i64} {
  func.func @_tc2_body(%arg0: i32, %arg1: memref<2x1000x128xf32, #tpu.memory_space<vmem>>, %arg2: memref<2x1000x128xf32, #tpu.memory_space<vmem>>, %arg3: memref<1000x8xf32, #tpu.memory_space<vmem>>, %arg4: memref<1x256xf32, #tpu.memory_space<vmem>>, %arg5: memref<256x64xf32, #tpu.memory_space<vmem>>, %arg6: memref<1000x128xf32, #tpu.memory_space<vmem>>) attributes {dimension_semantics = [#tpu.dimension_semantics<arbitrary>], iteration_bounds = array<i64: 10>, scalar_prefetch = 0 : i64, scratch_operands = 0 : i64, tpu.core_type = #tpu.core_type<tc>, window_params = [{transform_indices = @transform_0, window_bounds = array<i64: 2, 1000, 128>}, {transform_indices = @transform_1, window_bounds = array<i64: 2, 1000, 128>}, {transform_indices = @transform_2, window_bounds = array<i64: 1000, 8>}, {pipeline_mode = #tpu.pipeline_mode<synchronous>, transform_indices = @transform_3, window_bounds = array<i64: 1, 256>}, {pipeline_mode = #tpu.pipeline_mode<synchronous>, transform_indices = @transform_4, window_bounds = array<i64: 256, 64>}, {transform_indices = @transform_5, window_bounds = array<i64: 1000, 128>}]} {
    %get3A = arith.constant 0 : index
    %get3A_0 = arith.constant 0 : index
    %get3A_1 = vector.load %arg3[%get3A, %get3A_0] : memref<1000x8xf32, #tpu.memory_space<vmem>>, vector<1000x1xf32>
    %get3A_2 = arith.constant 0 : index
    %get3A_3 = arith.constant 0 : index
    %get3A_4 = arith.constant 0 : index
    %get3A_5 = vector.load %arg1[%get3A_2, %get3A_3, %get3A_4] : memref<2x1000x128xf32, #tpu.memory_space<vmem>>, vector<1x1000x128xf32>
    %get3A_6 = vector.shape_cast %get3A_5 : vector<1x1000x128xf32> to vector<1000x128xf32>
    %get3A_7 = arith.constant 0 : index
    %get3A_8 = arith.constant 0 : index
    %get3A_9 = arith.constant 0 : index
    %get3A_10 = vector.load %arg2[%get3A_7, %get3A_8, %get3A_9] : memref<2x1000x128xf32, #tpu.memory_space<vmem>>, vector<1x1000x128xf32>
    %get3A_11 = vector.shape_cast %get3A_10 : vector<1x1000x128xf32> to vector<1000x128xf32>
    %add3A = arith.addf %get3A_6, %get3A_11 : vector<1000x128xf32>
    %mul3A = vector.broadcast %get3A_1 : vector<1000x1xf32> to vector<1000x128xf32>
    %mul3A_12 = arith.mulf %add3A, %mul3A : vector<1000x128xf32>
    %get3A_13 = arith.constant 0 : index
    %get3A_14 = arith.constant 0 : index
    %get3A_15 = vector.load %arg4[%get3A_13, %get3A_14] : memref<1x256xf32, #tpu.memory_space<vmem>>, vector<1x128xf32>
    %add3A_16 = vector.broadcast %get3A_15 : vector<1x128xf32> to vector<1000x128xf32>
    %add3A_17 = arith.addf %mul3A_12, %add3A_16 : vector<1000x128xf32>
    %max3A = arith.constant 0.000000e+00 : f32
    %max3A_18 = vector.broadcast %max3A : f32 to vector<1000x128xf32>
    %max3A_19 = arith.maximumf %add3A_17, %max3A_18 : vector<1000x128xf32>
    %get3A_20 = arith.constant 1 : index
    %get3A_21 = arith.constant 0 : index
    %get3A_22 = arith.constant 0 : index
    %get3A_23 = vector.load %arg1[%get3A_20, %get3A_21, %get3A_22] : memref<2x1000x128xf32, #tpu.memory_space<vmem>>, vector<1x1000x128xf32>
    %get3A_24 = vector.shape_cast %get3A_23 : vector<1x1000x128xf32> to vector<1000x128xf32>
    %get3A_25 = arith.constant 1 : index
    %get3A_26 = arith.constant 0 : index
    %get3A_27 = arith.constant 0 : index
    %get3A_28 = vector.load %arg2[%get3A_25, %get3A_26, %get3A_27] : memref<2x1000x128xf32, #tpu.memory_space<vmem>>, vector<1x1000x128xf32>
    %get3A_29 = vector.shape_cast %get3A_28 : vector<1x1000x128xf32> to vector<1000x128xf32>
    %add3A_30 = arith.addf %get3A_24, %get3A_29 : vector<1000x128xf32>
    %mul3A_31 = vector.broadcast %get3A_1 : vector<1000x1xf32> to vector<1000x128xf32>
    %mul3A_32 = arith.mulf %add3A_30, %mul3A_31 : vector<1000x128xf32>
    %get3A_33 = arith.constant 0 : index
    %get3A_34 = arith.constant 128 : index
    %get3A_35 = vector.load %arg4[%get3A_33, %get3A_34] : memref<1x256xf32, #tpu.memory_space<vmem>>, vector<1x128xf32>
    %add3A_36 = vector.broadcast %get3A_35 : vector<1x128xf32> to vector<1000x128xf32>
    %add3A_37 = arith.addf %mul3A_32, %add3A_36 : vector<1000x128xf32>
    %max3A_38 = arith.constant 0.000000e+00 : f32
    %max3A_39 = vector.broadcast %max3A_38 : f32 to vector<1000x128xf32>
    %max3A_40 = arith.maximumf %add3A_37, %max3A_39 : vector<1000x128xf32>
    %concatenate3A = tpu.concatenate %max3A_19, %max3A_40 in 1 : vector<1000x128xf32>, vector<1000x128xf32> -> vector<1000x256xf32>
    %get3A_41 = arith.constant 0 : index
    %get3A_42 = arith.constant 0 : index
    %get3A_43 = vector.load %arg5[%get3A_41, %get3A_42] : memref<256x64xf32, #tpu.memory_space<vmem>>, vector<256x64xf32>
    %dot_general3A = arith.constant dense<0.000000e+00> : vector<1000x64xf32>
    %dot_general3A_44 = tpu.matmul %concatenate3A, %get3A_43, %dot_general3A {dimension_numbers = #tpu.dot_dimension_numbers<[1], [0], [0], [1], [0, 0, 1, 1], [], []>, transpose_lhs_hint = false} : vector<1000x256xf32>, vector<256x64xf32>, vector<1000x64xf32> -> vector<1000x64xf32>
    %mul3A_45 = vector.broadcast %get3A_1 : vector<1000x1xf32> to vector<1000x64xf32>
    %mul3A_46 = arith.mulf %dot_general3A_44, %mul3A_45 : vector<1000x64xf32>
    %broadcast_in_dim3A = arith.constant 0.000000e+00 : f32
    %broadcast_in_dim3A_47 = vector.broadcast %broadcast_in_dim3A : f32 to vector<1000x64xf32>
    %concatenate3A_48 = tpu.concatenate %mul3A_46, %broadcast_in_dim3A_47 in 1 : vector<1000x64xf32>, vector<1000x64xf32> -> vector<1000x128xf32>
    %swap3A = arith.constant 0 : index
    %swap3A_49 = arith.constant 0 : index
    %swap3A_50 = vector.load %arg6[%swap3A, %swap3A_49] : memref<1000x128xf32, #tpu.memory_space<vmem>>, vector<1000x128xf32>
    tpu.vector_store %arg6[%swap3A, %swap3A_49], %concatenate3A_48 {strides = array<i32>} : memref<1000x128xf32, #tpu.memory_space<vmem>>, vector<1000x128xf32>,
    return
  }
  func.func @transform_0(%arg0: i32) -> (i32, i32, i32) {
    %c0_i32 = arith.constant 0 : i32
    %c0_i32_0 = arith.constant 0 : i32
    %c0_i32_1 = arith.constant 0 : i32
    return %c0_i32, %arg0, %c0_i32_0 : i32, i32, i32
  }
  func.func @transform_1(%arg0: i32) -> (i32, i32, i32) {
    %c0_i32 = arith.constant 0 : i32
    %c0_i32_0 = arith.constant 0 : i32
    %c0_i32_1 = arith.constant 0 : i32
    return %c0_i32, %arg0, %c0_i32_0 : i32, i32, i32
  }
  func.func @transform_2(%arg0: i32) -> (i32, i32) {
    %c0_i32 = arith.constant 0 : i32
    %c0_i32_0 = arith.constant 0 : i32
    return %arg0, %c0_i32 : i32, i32
  }
  func.func @transform_3(%arg0: i32) -> (i32, i32) {
    %c0_i32 = arith.constant 0 : i32
    %c0_i32_0 = arith.constant 0 : i32
    %c0_i32_1 = arith.constant 0 : i32
    return %c0_i32, %c0_i32_0 : i32, i32
  }
  func.func @transform_4(%arg0: i32) -> (i32, i32) {
    %c0_i32 = arith.constant 0 : i32
    %c0_i32_0 = arith.constant 0 : i32
    %c0_i32_1 = arith.constant 0 : i32
    return %c0_i32, %c0_i32_0 : i32, i32
  }
  func.func @transform_5(%arg0: i32) -> (i32, i32) {
    %c0_i32 = arith.constant 0 : i32
    %c0_i32_0 = arith.constant 0 : i32
    return %arg0, %c0_i32 : i32, i32
  }
}

module attributes {stable_mosaic.version = 14 : i64} {
  func.func @_tc3_body(%arg0: i32, %arg1: memref<2x1000x128xf32, #tpu.memory_space<vmem>>, %arg2: memref<1000x128xf32, #tpu.memory_space<vmem>>, %arg3: memref<1000x8xf32, #tpu.memory_space<vmem>>, %arg4: memref<1x64xf32, #tpu.memory_space<vmem>>, %arg5: memref<1000x64xf32, #tpu.memory_space<vmem>>) attributes {dimension_semantics = [#tpu.dimension_semantics<arbitrary>], iteration_bounds = array<i64: 10>, scalar_prefetch = 0 : i64, scratch_operands = 0 : i64, tpu.core_type = #tpu.core_type<tc>, window_params = [{transform_indices = @transform_0, window_bounds = array<i64: 2, 1000, 128>}, {transform_indices = @transform_1, window_bounds = array<i64: 1000, 128>}, {transform_indices = @transform_2, window_bounds = array<i64: 1000, 8>}, {pipeline_mode = #tpu.pipeline_mode<synchronous>, transform_indices = @transform_3, window_bounds = array<i64: 1, 64>}, {transform_indices = @transform_4, window_bounds = array<i64: 1000, 64>}]} {
    %get3A = arith.constant 0 : index
    %get3A_0 = arith.constant 0 : index
    %get3A_1 = vector.load %arg3[%get3A, %get3A_0] : memref<1000x8xf32, #tpu.memory_space<vmem>>, vector<1000x1xf32>
    %get3A_2 = arith.constant 0 : index
    %get3A_3 = arith.constant 0 : index
    %get3A_4 = arith.constant 0 : index
    %get3A_5 = vector.load %arg1[%get3A_2, %get3A_3, %get3A_4] : memref<2x1000x128xf32, #tpu.memory_space<vmem>>, vector<1x1000x128xf32>
    %get3A_6 = vector.shape_cast %get3A_5 : vector<1x1000x128xf32> to vector<1000x128xf32>
    %get3A_7 = arith.constant 1 : index
    %get3A_8 = arith.constant 0 : index
    %get3A_9 = arith.constant 0 : index
    %get3A_10 = vector.load %arg1[%get3A_7, %get3A_8, %get3A_9] : memref<2x1000x128xf32, #tpu.memory_space<vmem>>, vector<1x1000x128xf32>
    %get3A_11 = vector.shape_cast %get3A_10 : vector<1x1000x128xf32> to vector<1000x128xf32>
    %add3A = arith.addf %get3A_6, %get3A_11 : vector<1000x128xf32>
    %get3A_12 = arith.constant 0 : index
    %get3A_13 = arith.constant 0 : index
    %get3A_14 = vector.load %arg2[%get3A_12, %get3A_13] : memref<1000x128xf32, #tpu.memory_space<vmem>>, vector<1000x128xf32>
    %add3A_15 = arith.addf %add3A, %get3A_14 : vector<1000x128xf32>
    %slice3A = vector.extract_strided_slice %add3A_15 {offsets = [0, 0], sizes = [1000, 64], strides = [1, 1]} : vector<1000x128xf32> to vector<1000x64xf32>
    %mul3A = vector.broadcast %get3A_1 : vector<1000x1xf32> to vector<1000x64xf32>
    %mul3A_16 = arith.mulf %slice3A, %mul3A : vector<1000x64xf32>
    %get3A_17 = arith.constant 0 : index
    %get3A_18 = arith.constant 0 : index
    %get3A_19 = vector.load %arg4[%get3A_17, %get3A_18] : memref<1x64xf32, #tpu.memory_space<vmem>>, vector<1x64xf32>
    %add3A_20 = vector.broadcast %get3A_19 : vector<1x64xf32> to vector<1000x64xf32>
    %add3A_21 = arith.addf %mul3A_16, %add3A_20 : vector<1000x64xf32>
    %reduce_max3A = arith.constant dense<0xFF800000> : vector<1000xf32>
    %reduce_max3A_22 = vector.multi_reduction <maximumf>, %add3A_21, %reduce_max3A [1] : vector<1000x64xf32> to vector<1000xf32>
    %broadcast_in_dim3A = vector.shape_cast %reduce_max3A_22 : vector<1000xf32> to vector<1000x1xf32>
    %sub3A = vector.broadcast %broadcast_in_dim3A : vector<1000x1xf32> to vector<1000x64xf32>
    %sub3A_23 = arith.subf %add3A_21, %sub3A : vector<1000x64xf32>
    %exp3A = math.exp %sub3A_23 : vector<1000x64xf32>
    %reduce_sum3A = arith.constant dense<0.000000e+00> : vector<1000xf32>
    %reduce_sum3A_24 = vector.multi_reduction <add>, %exp3A, %reduce_sum3A [1] : vector<1000x64xf32> to vector<1000xf32>
    %broadcast_in_dim3A_25 = vector.shape_cast %reduce_sum3A_24 : vector<1000xf32> to vector<1000x1xf32>
    %log3A = math.log %broadcast_in_dim3A_25 : vector<1000x1xf32>
    %add3A_26 = arith.addf %log3A, %broadcast_in_dim3A : vector<1000x1xf32>
    %sub3A_27 = vector.broadcast %add3A_26 : vector<1000x1xf32> to vector<1000x64xf32>
    %sub3A_28 = arith.subf %add3A_21, %sub3A_27 : vector<1000x64xf32>
    %swap3A = arith.constant 0 : index
    %swap3A_29 = arith.constant 0 : index
    %swap3A_30 = vector.load %arg5[%swap3A, %swap3A_29] : memref<1000x64xf32, #tpu.memory_space<vmem>>, vector<1000x64xf32>
    tpu.vector_store %arg5[%swap3A, %swap3A_29], %sub3A_28 {strides = array<i32>} : memref<1000x64xf32, #tpu.memory_space<vmem>>, vector<1000x64xf32>,
    return
  }
  func.func @transform_0(%arg0: i32) -> (i32, i32, i32) {
    %c0_i32 = arith.constant 0 : i32
    %c0_i32_0 = arith.constant 0 : i32
    %c0_i32_1 = arith.constant 0 : i32
    return %c0_i32, %arg0, %c0_i32_0 : i32, i32, i32
  }
  func.func @transform_1(%arg0: i32) -> (i32, i32) {
    %c0_i32 = arith.constant 0 : i32
    %c0_i32_0 = arith.constant 0 : i32
    return %arg0, %c0_i32 : i32, i32
  }
  func.func @transform_2(%arg0: i32) -> (i32, i32) {
    %c0_i32 = arith.constant 0 : i32
    %c0_i32_0 = arith.constant 0 : i32
    return %arg0, %c0_i32 : i32, i32
  }
  func.func @transform_3(%arg0: i32) -> (i32, i32) {
    %c0_i32 = arith.constant 0 : i32
    %c0_i32_0 = arith.constant 0 : i32
    %c0_i32_1 = arith.constant 0 : i32
    return %c0_i32, %c0_i32_0 : i32, i32
  }
  func.func @transform_4(%arg0: i32) -> (i32, i32) {
    %c0_i32 = arith.constant 0 : i32
    %c0_i32_0 = arith.constant 0 : i32
    return %arg0, %c0_i32 : i32, i32
  }
}

</mosaic_0001>

<sc_bundles>
// kernel: kernel.11.cloned.1.call-start
scs
__scs_entry_jumppad:
0x0: {  	(pc) =	sbr.rel $0x88, $3  }
0x1: {  	(tag) =	ssettag $0x0;
	lr =	simm.s32 $0x1  }
0x2: {  	[smem:$0x3F9B] =	sst lr;
	_ =	strace $0xD0000000  }
0x3: {  	_ = 	snop  }
0x4: {  	_ = 	snop  }
0x5: {  	_ = 	snop  }
0x6: {  	_ = 	snop  }
0x7: {  	_ = 	snop  }
__scs_overlays_trampoline_lowered:
0x8: {  	[smem:$0x3FAA] =	sst s0  }
0x9: {  	[smem:$0x3FAB] =	sst s1  }
0xa: {  	[smem:$0x3FAC] =	sst s2  }
0xb: {  	[smem:$0x3FAD] =	sst s3  }
0xc: {  	[smem:$0x3FAE] =	sst s4  }
0xd: {  	[smem:$0x3FAF] =	sst s5  }
0xe: {  	[smem:$0x3FB0] =	sst s6  }
0xf: {  	[smem:$0x3FB1] =	sst s7  }
0x10: {  	[smem:$0x3FB2] =	sst s8  }
0x11: {  	[smem:$0x3FB3] =	sst s9;
	s0 =	simm.s32 @!p0 $0x0  }
0x12: {  	s1 =	sld [smem:$0x3F99];
	s0 =	simm.s32 @p0 $0x1  }
0x13: {  	[smem:$0x3FB4] =	sst s0;
	s0 =	simm.s32 @!p1 $0x0  }
0x14: {  	s2 =	sld [smem:$0x3F98];
	s0 =	simm.s32 @p1 $0x1  }
0x15: {  	[smem:$0x3FB5] =	sst s0;
	s0 =	simm.s32 @!p2 $0x0  }
0x16: {  	s3 =	sld [smem:$0x3FDB];
	s0 =	simm.s32 @p2 $0x1  }
0x17: {  	s4 =	simm.s32 $0x1BF5;
	[smem:$0x3FB7] =	sst s0  }
0x18: {  	s0 =	sld [smem:$0x3F9A];
	_ =	swait.ge [sflag:s4], $0x0  }
0x19: {  	s7 =	sld [smem:$0x3F9B]  }
0x1a: {  	s8 =	sadd.s32 $0xFFFFE003, lr  }
0x1b: {  	s9 =	sadd.s32 $0xFFFFFEF7, lr;
	s5 =	simm.s32 $0xFFFFFFFF;
	p2 =	slt.u32 s8, $0xFFFFF086  }
0x1c: {  	p1 =	slt.u32 s9, $0xF7A;
	s5 =	simm.s32 @!p2 $0x0  }
0x1d: {  	s5 =	simm.s32 @p1 $0x1;
	p0 =	seq.s32 s7, s2  }
0x1e: {  	s7 =	smul.u32 @!p0 $0xF7A, s2;
	p2 =	seq.s32 @!p0 s5, $0x0  }
0x1f: {  	s9 =	smul.u32 $0xF7A, s1;
	s8 =	simm.s32 @!p0 $0x1BF5;
	p2 =	por !p2, p0  }
0x20: {  	[sflag:s8] =	ssyncset.s32 @!p0 $0xFFFFF086;
	s6 =	sadd.s32 @!p0 s3, s7;
	s7 =	simm.s32 @!p0 $0x108  }
0x21: {  	s3 =	sadd.s32 s3, s9;
	s6 =	sadd.s32 @!p0 $0x88, s6;
	s7 =	simm.s32 @p2 $0x1082  }
0x22: {  	[simem:s7], [sflag:s8] =	dma.local @!p0 [hbm:s6], $0xF7A  }
0x23: {  	s9 =	sor.u32 $0xD0000000, s2;
	s6 =	simm.s32 $0x108;
	_ =	swait.ge @!p0 [sflag:s8], $0x0  }
0x24: {  	s3 =	sadd.s32 $0x88, s3;
	s6 =	simm.s32 @!p1 $0x1082;
	[sflag:s4] =	ssyncset.s32 $0xFFFFF086  }
0x25: {  	[simem:s6], [sflag:s4] =	dma.local [hbm:s3], $0xF7A  }
0x26: {  	[smem:$0x3F9B] =	sst s1;
	(tag) =	ssettag s2;
	_ =	strace s9  }
0x27: {  	s1 =	sld [smem:$0x3FAB]  }
0x28: {  	s2 =	sld [smem:$0x3FAC]  }
0x29: {  	s4 =	sld [smem:$0x3FAE]  }
0x2a: {  	p0 =	seq.s32 s5, $0x0;
	s5 =	sld [smem:$0x3FAF]  }
0x2b: {  	s6 =	sld [smem:$0x3FB0]  }
0x2c: {  	s7 =	sld [smem:$0x3FB1]  }
0x2d: {  	s3 =	simm.s32 $0x108;
	s8 =	sld [smem:$0x3FB2]  }
0x2e: {  	s3 =	simm.s32 @!p0 $0x1082;
	s9 =	sld [smem:$0x3FB3]  }
0x2f: {  	lr =	sadd.s32 s0, s3;
	s0 =	sld [smem:$0x3FAA]  }
0x30: {  	s3 =	sld [smem:$0x3FAD]  }
0x31: {  	[smem:$0x3FB6] =	sst s10  }
0x32: {  	s10 =	sld [smem:$0x3FB4];
	_ =	sdelay $0x3  }
0x33: {  	p0 =	seq.s32 s10, $0x1;
	s10 =	sld [smem:$0x3FB6];
	_ =	sdelay $0x3  }
0x34: {  	[smem:$0x3FB6] =	sst s10  }
0x35: {  	s10 =	sld [smem:$0x3FB5];
	_ =	sdelay $0x3  }
0x36: {  	p1 =	seq.s32 s10, $0x1;
	s10 =	sld [smem:$0x3FB6];
	_ =	sdelay $0x3  }
0x37: {  	[smem:$0x3FB6] =	sst s10  }
0x38: {  	s10 =	sld [smem:$0x3FB7]  }
0x39: {  	_ = 	snop;
	(pc) =	sbr.ind lr, $3  }
0x3a: {  	_ = 	snop  }
0x3b: {  	_ = 	snop  }
0x3c: {  	p2 =	seq.s32 s10, $0x1;
	s10 =	sld [smem:$0x3FB6]  }
0x3d: {  	_ =	shalt  }
0x3e: {  	_ =	shalt  }
0x3f: {  	_ =	shalt  }
0x40: {  	_ =	shalt  }
0x41: {  	_ =	shalt  }
0x42: {  	_ =	shalt  }
0x43: {  	_ =	shalt  }
0x44: {  	_ =	shalt  }
0x45: {  	_ =	shalt  }
0x46: {  	_ =	shalt  }
0x47: {  	_ =	shalt  }
0x48: {  	_ =	shalt  }
0x49: {  	_ =	shalt  }
0x4a: {  	_ =	shalt  }
0x4b: {  	_ =	shalt  }
0x4c: {  	_ =	shalt  }
0x4d: {  	_ =	shalt  }
0x4e: {  	_ =	shalt  }
0x4f: {  	_ =	shalt  }
0x50: {  	_ =	shalt  }
0x51: {  	_ =	shalt  }
0x52: {  	_ =	shalt  }
0x53: {  	_ =	shalt  }
0x54: {  	_ =	shalt  }
0x55: {  	_ =	shalt  }
0x56: {  	_ =	shalt  }
0x57: {  	_ =	shalt  }
0x58: {  	_ =	shalt  }
0x59: {  	_ =	shalt  }
0x5a: {  	_ =	shalt  }
0x5b: {  	_ =	shalt  }
0x5c: {  	_ =	shalt  }
0x5d: {  	_ =	shalt  }
0x5e: {  	_ =	shalt  }
0x5f: {  	_ =	shalt  }
0x60: {  	_ =	shalt  }
0x61: {  	_ =	shalt  }
0x62: {  	_ =	shalt  }
0x63: {  	_ =	shalt  }
0x64: {  	_ =	shalt  }
0x65: {  	_ =	shalt  }
0x66: {  	_ =	shalt  }
0x67: {  	_ =	shalt  }
0x68: {  	_ =	shalt  }
0x69: {  	_ =	shalt  }
0x6a: {  	_ =	shalt  }
0x6b: {  	_ =	shalt  }
0x6c: {  	_ =	shalt  }
0x6d: {  	_ =	shalt  }
0x6e: {  	_ =	shalt  }
0x6f: {  	_ =	shalt  }
0x70: {  	_ =	shalt  }
0x71: {  	_ =	shalt  }
0x72: {  	_ =	shalt  }
0x73: {  	_ =	shalt  }
0x74: {  	_ =	shalt  }
0x75: {  	_ =	shalt  }
0x76: {  	_ =	shalt  }
0x77: {  	_ =	shalt  }
0x78: {  	_ =	shalt  }
0x79: {  	_ =	shalt  }
0x7a: {  	_ =	shalt  }
0x7b: {  	_ =	shalt  }
0x7c: {  	_ =	shalt  }
0x7d: {  	_ =	shalt  }
0x7e: {  	_ =	shalt  }
0x7f: {  	_ =	shalt  }
0x80: {  	_ =	shalt  }
0x81: {  	_ =	shalt  }
0x82: {  	_ =	shalt  }
0x83: {  	_ =	shalt  }
0x84: {  	_ =	shalt  }
0x85: {  	_ =	shalt  }
0x86: {  	_ =	shalt  }
0x87: {  	_ =	shalt  }
.Lfunc_end0:
.L_simem_size_0:
called_computation.1_lowered:
.L_overlay_start_0:
0x88: {  	s2 =	sld [smem:$0x3FD9]  }
0x89: {  	s3 =	sld [smem:$0x3FFE];
	_ =	sdelay $0x1  }
0x8a: {  	s1 =	srdreg.scid  }
0x8b: {  	s0 =	sand.u32 $0x1, s1  }
0x8c: {  	s17 =	sshll.u32 s0, $0xA;
	s2 =	sadd.s32 s3, s2  }
0x8d: {  	s2 =	sadd.s32 s2, s17  }
0x8e: {  	[smem:$0x3FC2] =	sst s2  }
0x8f: {  	_ = 	snop  }
0x90: {  	s2 =	sld [smem:$0x3FD0];
	(tm) =	ssettm $0x1  }
0x91: {  	s18 =	sld [smem:$0x3FFB];
	_ =	sdelay $0x3  }
0x92: {  	_ =	strace s18  }
0x93: {  	s3 =	sld [smem:$0x3FFC];
	_ =	sdelay $0x3  }
0x94: {  	_ =	strace s3  }
0x95: {  	s3 =	sld [smem:$0x3FFD];
	_ =	sdelay $0x3  }
0x96: {  	_ =	strace s3  }
0x97: {  	_ =	strace $0x8FFFFFFF  }
0x98: {  	s19 =	sld [smem:$0x3FDB];
	_ =	sdelay $0x1  }
0x99: {  	s4 =	simm.s32 $_scs_section_size  }
0x9a: {  	s5 =	simm.s32 $_size__tile_overlayer_lowered;
	s6 =	simm.s32 $_tile_overlayer_lowered  }
0x9b: {  	s22 =	simm.s32 $0x1BFF;
	s21 =	sshll.u32 s6, $0x1;
	s3 =	sadd.s32 s4, s19  }
0x9c: {  	s7 =	simm.s32 $0x0;
	s20 =	sshll.u32 s5, $0x1;
	s5 =	sadd.s32 s21, s3  }
0x9d: {  	[timem:s7], [sflag:s22] =	dma.local [hbm:s5], s20  }
0x9e: {  	_ =	swait.ge [sflag:s22], s20  }
0x9f: {  	s4 =	ssub.s32 $0x0, s20;
	[sflag:s22] =	ssyncset.done $0x0  }
0xa0: {  	[sflag:s22] =	ssyncadd.s32 s4;
	_ =	sdelay $0x1  }
0xa1: {  	s23 =	simm.s32 $0x1B8B  }
0xa2: {  	_ =	swait.ge [sflag:s23], $0x1  }
0xa3: {  	[sflag:s23] =	ssyncset.done $0x0  }
0xa4: {  	s25 =	simm.s32 $0x1B8E;
	s24 =	sld [smem:$0x3FFE];
	[sflag:s23] =	ssyncadd.s32 $0xFFFFFFFF  }
0xa5: {  	s26 =	simm.s32 $execute0_lowered;
	[smem:$0x3FD2] =	sst s25  }
0xa6: {  	s5 =	sshll.u32 s26, $0x1;
	_ =	strace $0x80000049;
	[dreg:$0x1] =	wrdreg $0xFFFFFFFF  }
0xa7: {  	s28 =	simm.s32 $_size_execute0_lowered;
	s3 =	sadd.s32 s3, s5;
	[dreg:$0x0] =	wrdreg $0x0  }
0xa8: {  	s5 =	sshll.u32 s28, $0x1;
	[dreg:$0x2] =	wrdreg s3  }
0xa9: {  	[dreg:$0x3] =	wrdreg s5  }
0xaa: {  	[dreg:$0x4] =	wrdreg $0xC0  }
0xab: {  	_ =	task [dreg:s7], $0x5FFFF  }
0xac: {  	[dreg:$0x1] =	wrdreg $0xFFFFFFFF  }
0xad: {  	[dreg:$0x0] =	wrdreg $0x60  }
0xae: {  	[dreg:$0x2] =	wrdreg s24  }
0xaf: {  	[dreg:$0x3] =	wrdreg s2  }
0xb0: {  	[dreg:$0x4] =	wrdreg $0x0  }
0xb1: {  	[dreg:$0x5] =	wrdreg $0x9  }
0xb2: {  	_ =	task.clear_ibuf [dreg:s7], $0x6FFFF;
	_ =	strace $0x90000049  }
0xb3: {  	s29 =	simm.s32 $0x9;
	_ =	strace $0x8000004B  }
0xb4: {  	_ =	swait.ge [sflag:s29], $0x1  }
0xb5: {  	[sflag:s29] =	ssyncadd.s32 $0xFFFFFFFF  }
0xb6: {  	_ =	strace $0x9000004B  }
0xb7: {  	_ =	sfence  }
0xb8: {  	s30 =	sld [smem:$0x0];
	_ =	sdelay $0x2  }
0xb9: {  	s31 =	sshll.u32 s1, $0xD;
	s1 =	sshrl.u32 s1, $0x2  }
0xba: {  	s3 =	sand.u32 $0x4000, s31;
	s1 =	sadd.s32 s1, s30  }
0xbb: {  	s0 =	sor.u32 s3, s0;
	s1 =	sshll.u32 s1, $0x11  }
0xbc: {  	s0 =	sor.u32 s1, s0  }
0xbd: {  	s0 =	sadd.s32 $0x8F2B, s0  }
0xbe: {  	[sflag:s0] =	ssyncadd.remote.s32 $0x1  }
0xbf: {  	_ =	sfence.sel $0xFFFF  }
0xc0: {  	[dreg:$0x0] =	wrdreg $0xFFFFFFFF;
	(pc) =	sbr.abs _section_cstart, $3  }
0xc1: {  	[dreg:$0x1] =	wrdreg $0xFFFFFFFF  }
0xc2: {  	_ =	task.clear_ibuf [dreg:s7], $0x2FFFF;
	_ =	strace $0x9FFFFFFF  }
0xc3: {  	(tm) =	ssettm $0x7FFFFFFF  }
tec
execute0_lowered:
.L_overlay_start_1:
0x0: {  	(tag) =	ssettag $0x1  }
0x1: {  	s0 =	rddreg [dreg:$0x0]  }
0x2: {  	s1 =	rddreg [dreg:$0x1]  }
0x3: {  	s2 =	rddreg [dreg:$0x2]  }
0x4: {  	s14 =	stileid.u32;
	s6 =	srdreg.scid  }
0x5: {  	s22 =	simm.s32 $0x0;
	s15 =	simm.s32 $0x400;
	s16 =	simm.s32 $0x14000  }
0x6: {  	s17 =	simm.s32 $0x16780;
	s18 =	simm.s32 $0x50;
	s19 =	simm.s32 $0x1A780  }
0x7: {  	s20 =	simm.s32 $0x1;
	s21 =	simm.s32 $0x14050;
	s28 =	simm.s32 $0x4  }
0x8: {  	s29 =	simm.s32 $0x1A580;
	s30 =	simm.s32 $0x0;
	s3 =	sshrl.u32 s14, $0x3  }
0x9: {  	s5 =	sshll.u32 s14, $0x7;
	s10 =	sand.u32 $0x1, s6;
	s8 =	smul.u32 $0x14000, s14  }
0xa: {  	[smem:$0x7FF] =	sst s22;
	s11 =	smul.u32 $0x50000, s14;
	s26 =	sshll.u32 s14, $0x6  }
0xb: {  	s31 =	sshll.u32 s14, $0xB;
	s22 =	simm.s32 $0x1CF80;
	s4 =	smul.u32 $0x13C00, s3  }
0xc: {  	s5 =	sand.u32 $0x380, s5;
	s6 =	smul.u32 $0x140000, s10;
	s24 =	ssub.s32 $0x2, s10  }
0xd: {  	_ =	strace $0x8000004A;
	p0 =	seq.s32 s10, $0x1;
	s12 =	sshrl.u32 s24, $0x1  }
0xe: {  	s25 =	sshrl.u32 s11, $0x2;
	s4 =	sor.u32 s5, s4;
	s5 =	sadd.s32 $0x8C00, s0  }
0xf: {  	s23 =	sadd.s32 s8, s6;
	s6 =	sadd.s32 $0x6400, s0;
	s12 =	ssub.s32 s24, s12  }
0x10: {  	s13 =	sadd.s32 s25, s2;
	s24 =	simm.s32 $0x3;
	s25 =	simm.s32 $0x140A0  }
.Ltmp0:
0x11: {  	s7 =	sshrl.u32 s4, $0x3;
	s4 =	sadd.s32 $0x2FE00, s0;
	(pc) =	sbr.rel .LBB2_1-.Ltmp0, $4  }
0x12: {  	s11 =	smax.u32 s12, $0x1;
	s12 =	sshrl.u32 s13, $0x3;
	s13 =	simm.s32 $0x5  }
0x13: {  	s9 =	sadd.s32 s7, s0;
	s7 =	sshrl.u32 s23, $0x3;
	s23 =	simm.s32 $0x2  }
0x14: {  	s0 =	sadd.s32 s7, s0;
	s7 =	sor.u32 $0x1C05, s26;
	s8 =	sadd.s32 $0x59400, s9  }
0x15: {  	s9 =	sadd.s32 s1, s31;
	s26 =	simm.s32 $0x16800;
	s10 =	sadd.s32 $0x5E400, s0  }
.LBB2_7:
0x16: {  	[spmem:s2] =	stream.indirect.scatter.add.f32 [tilespmem:s22], [sflag:$0x4], $0x80, s31, s18, $0xb8;
	[tilespmem:$0x1F780] =	vst v63  }
0x17: {  	_ =	swait.ge [sflag:s20], $0x2800  }
0x18: {  	[sflag:s20] =	ssyncset.done $0x0  }
0x19: {  	[sflag:s20] =	ssyncadd.s32 $0xFFFFD800  }
0x1a: {  	[spmem:s2] =	stream.indirect.scatter.add.f32 [tilespmem:s19], [sflag:$0x3], $0x80, s29, s18, $0xb8;
	[tilespmem:$0x1F780] =	vst v63  }
.LBB2_8:
0x1b: {  	_ =	swait.ge [sflag:s24], $0x2800  }
0x1c: {  	[sflag:s24] =	ssyncset.done $0x0  }
0x1d: {  	[sflag:s24] =	ssyncadd.s32 $0xFFFFD800  }
0x1e: {  	_ =	swait.ge [sflag:s28], $0x2800  }
0x1f: {  	s30 =	sadd.s32 $0x1, s30;
	[sflag:s28] =	ssyncset.done $0x0  }
0x20: {  	p1 =	sne.s32 s30, s11;
	[sflag:s28] =	ssyncadd.s32 $0xFFFFD800  }
.Ltmp1:
0x21: {  	[bflag:$0x0] =	sbarrier.arrive $0xFFFF;
	(pc) =	sbr.rel @!p1 .LBB2_9-.Ltmp1, $4  }
0x22: {  	[hbm:s10], [sflag:s7] =	dma.local [spmem:s12], $0x2800  }
0x23: {  	_ =	swait.ge [sflag:s13], $0x2800  }
0x24: {  	[sflag:s13] =	ssyncset.done $0x0  }
0x25: {  	[sflag:s13] =	ssyncadd.s32 $0xFFFFD800  }
.LBB2_1:
0x26: {  	[spmem:s12], [sflag:s7] =	dma.local [hbm:s6], $0x2800  }
0x27: {  	_ =	swait.ge [sflag:s13], $0x2800  }
0x28: {  	[sflag:s13] =	ssyncset.done $0x0  }
0x29: {  	s0 =	simm.s32 $0x80;
	[sflag:s13] =	ssyncadd.s32 $0xFFFFD800  }
0x2a: {  	[tilespmem:s16], [sflag:$0x5] =	stream.strided.gather [hbm4b:s8+s0], $0x2780, s15, s0, $0x38;
	[tilespmem:$0x1F780] =	vst v63  }
0x2b: {  	_ =	swait.ge [sflag:s13], $0x2780  }
0x2c: {  	[sflag:s13] =	ssyncset.done $0x0  }
0x2d: {  	s31 =	simm.s32 $0x0;
	[sflag:s13] =	ssyncadd.s32 $0xFFFFD880  }
0x2e: {  	[tilespmem:s17], [sflag:$0x5] =	stream.linear.gather [hbm4b:s9+s31], $0x3E80, $0x38;
	[tilespmem:$0x1F780] =	vst v63  }
.Ltmp2:
0x2f: {  	_ =	swait.ge [sflag:s13], $0x3E80;
	(pc) =	sbr.rel @!p0 .LBB2_2-.Ltmp2, $3  }
0x30: {  	[sflag:s13] =	ssyncset.done $0x0  }
0x31: {  	[sflag:s13] =	ssyncadd.s32 $0xFFFFC180  }
0x32: {  	[bflag:$0x0] =	sbarrier.arrive $0xFFFF;
	_ =	sdelay $0x1  }
0x33: {  	[tilespmem:s19], [sflag:$0x1] =	stream.indirect.gather [hbm4b:s5+s18], $0x80, s16, s18, $0xb8;
	[tilespmem:$0x1F780] =	vst v63  }
0x34: {  	_ =	swait.ge [sflag:s20], $0x2800  }
0x35: {  	[sflag:s20] =	ssyncset.done $0x0  }
0x36: {  	[sflag:s20] =	ssyncadd.s32 $0xFFFFD800  }
0x37: {  	[tilespmem:s22], [sflag:$0x2] =	stream.indirect.gather [hbm4b:s5+s18], $0x80, s21, s18, $0xb8;
	[tilespmem:$0x1F780] =	vst v63  }
0x38: {  	_ = 	snop  }
0x39: {  	[spmem:s2] =	stream.indirect.scatter.add.f32 [tilespmem:s19], [sflag:$0x3], $0x80, s17, s18, $0xb8;
	[tilespmem:$0x1F780] =	vst v63  }
0x3a: {  	_ =	swait.ge [sflag:s23], $0x2800  }
0x3b: {  	[sflag:s23] =	ssyncset.done $0x0  }
0x3c: {  	[sflag:s23] =	ssyncadd.s32 $0xFFFFD800  }
0x3d: {  	_ =	swait.ge [sflag:s24], $0x2800  }
0x3e: {  	[sflag:s24] =	ssyncset.done $0x0  }
0x3f: {  	[sflag:s24] =	ssyncadd.s32 $0xFFFFD800  }
0x40: {  	[tilespmem:s19], [sflag:$0x1] =	stream.indirect.gather [hbm4b:s5+s18], $0x80, s25, s18, $0xb8;
	[tilespmem:$0x1F780] =	vst v63  }
0x41: {  	_ = 	snop  }
0x42: {  	[spmem:s2] =	stream.indirect.scatter.add.f32 [tilespmem:s22], [sflag:$0x4], $0x80, s26, s18, $0xb8;
	[tilespmem:$0x1F780] =	vst v63  }
0x43: {  	_ =	swait.ge [sflag:s20], $0x2800  }
0x44: {  	[sflag:s20] =	ssyncset.done $0x0  }
0x45: {  	[sflag:s20] =	ssyncadd.s32 $0xFFFFD800  }
0x46: {  	_ =	swait.ge [sflag:s28], $0x2800  }
0x47: {  	[sflag:s28] =	ssyncset.done $0x0  }
0x48: {  	s0 =	simm.s32 $0x140F0;
	[sflag:s28] =	ssyncadd.s32 $0xFFFFD800  }
0x49: {  	[tilespmem:s22], [sflag:$0x2] =	stream.indirect.gather [hbm4b:s5+s18], $0x80, s0, s18, $0xb8;
	[tilespmem:$0x1F780] =	vst v63  }
0x4a: {  	s3 =	simm.s32 $0x16880  }
0x4b: {  	[spmem:s2] =	stream.indirect.scatter.add.f32 [tilespmem:s19], [sflag:$0x3], $0x80, s3, s18, $0xb8;
	[tilespmem:$0x1F780] =	vst v63  }
0x4c: {  	_ =	swait.ge [sflag:s23], $0x2800  }
0x4d: {  	[sflag:s23] =	ssyncset.done $0x0  }
0x4e: {  	[sflag:s23] =	ssyncadd.s32 $0xFFFFD800  }
0x4f: {  	_ =	swait.ge [sflag:s24], $0x2800  }
0x50: {  	s14 =	simm.s32 $0x14140;
	s31 =	simm.s32 $0x16900;
	[sflag:s24] =	ssyncset.done $0x0  }
0x51: {  	s1 =	simm.s32 $0x16A00;
	s0 =	simm.s32 $0xFFFF6A00;
	[sflag:s24] =	ssyncadd.s32 $0xFFFFD800  }
0x52: {  	[tilespmem:s19], [sflag:$0x1] =	stream.indirect.gather [hbm4b:s5+s18], $0x80, s14, s18, $0xb8;
	[tilespmem:$0x1F780] =	vst v63  }
.LBB2_6:
0x53: {  	[spmem:s2] =	stream.indirect.scatter.add.f32 [tilespmem:s22], [sflag:$0x4], $0x80, s31, s18, $0xb8;
	[tilespmem:$0x1F780] =	vst v63  }
0x54: {  	s3 =	smov.u32 s0;
	s31 =	smov.u32 s1  }
0x55: {  	p1 =	sne.s32 s0, $0xFFFFFD80;
	s0 =	sadd.s32 $0x280, s0;
	_ =	swait.ge [sflag:s20], $0x2800  }
0x56: {  	[sflag:s20] =	ssyncset.done $0x0  }
0x57: {  	[sflag:s20] =	ssyncadd.s32 $0xFFFFD800  }
0x58: {  	_ =	swait.ge [sflag:s28], $0x2800  }
0x59: {  	s3 =	sshra.s32 s3, $0x2;
	[sflag:s28] =	ssyncset.done $0x0  }
0x5a: {  	s14 =	sadd.s32 $0x16710, s3;
	[sflag:s28] =	ssyncadd.s32 $0xFFFFD800  }
0x5b: {  	[tilespmem:s22], [sflag:$0x2] =	stream.indirect.gather [hbm4b:s5+s18], $0x80, s14, s18, $0xb8;
	[tilespmem:$0x1F780] =	vst v63  }
0x5c: {  	s14 =	sadd.s32 $0xFFFFFF80, s1  }
0x5d: {  	[spmem:s2] =	stream.indirect.scatter.add.f32 [tilespmem:s19], [sflag:$0x3], $0x80, s14, s18, $0xb8;
	[tilespmem:$0x1F780] =	vst v63  }
0x5e: {  	_ =	swait.ge [sflag:s23], $0x2800  }
0x5f: {  	[sflag:s23] =	ssyncset.done $0x0  }
0x60: {  	[sflag:s23] =	ssyncadd.s32 $0xFFFFD800  }
.Ltmp3:
0x61: {  	_ =	swait.ge [sflag:s24], $0x2800;
	(pc) =	sbr.rel @p1 .LBB2_6-.Ltmp3, $4  }
0x62: {  	[sflag:s24] =	ssyncset.done $0x0  }
0x63: {  	s3 =	sadd.s32 $0x16760, s3;
	[sflag:s24] =	ssyncadd.s32 $0xFFFFD800  }
0x64: {  	[tilespmem:s19], [sflag:$0x1] =	stream.indirect.gather [hbm4b:s5+s18], $0x80, s3, s18, $0xb8;
	[tilespmem:$0x1F780] =	vst v63  }
0x65: {  	s1 =	sadd.s32 $0x100, s1  }
.Ltmp4:
0x66: {  	_ = 	snop;
	(pc) =	sbr.rel .LBB2_7-.Ltmp4, $1  }
0x67: {  	_ =	sdelay $0x3  }
.LBB2_2:
0x68: {  	[tilespmem:s19], [sflag:$0x1] =	stream.indirect.gather [hbm4b:s4+s18], $0x80, s16, s18, $0xb8;
	[tilespmem:$0x1F780] =	vst v63  }
0x69: {  	_ =	swait.ge [sflag:s20], $0x2800  }
0x6a: {  	[sflag:s20] =	ssyncset.done $0x0  }
0x6b: {  	[sflag:s20] =	ssyncadd.s32 $0xFFFFD800  }
0x6c: {  	[tilespmem:s22], [sflag:$0x2] =	stream.indirect.gather [hbm4b:s4+s18], $0x80, s21, s18, $0xb8;
	[tilespmem:$0x1F780] =	vst v63  }
0x6d: {  	_ = 	snop  }
0x6e: {  	[spmem:s2] =	stream.indirect.scatter.add.f32 [tilespmem:s19], [sflag:$0x3], $0x80, s17, s18, $0xb8;
	[tilespmem:$0x1F780] =	vst v63  }
0x6f: {  	_ =	swait.ge [sflag:s23], $0x2800  }
0x70: {  	[sflag:s23] =	ssyncset.done $0x0  }
0x71: {  	[sflag:s23] =	ssyncadd.s32 $0xFFFFD800  }
0x72: {  	_ =	swait.ge [sflag:s24], $0x2800  }
0x73: {  	[sflag:s24] =	ssyncset.done $0x0  }
0x74: {  	[sflag:s24] =	ssyncadd.s32 $0xFFFFD800  }
0x75: {  	[tilespmem:s19], [sflag:$0x1] =	stream.indirect.gather [hbm4b:s4+s18], $0x80, s25, s18, $0xb8;
	[tilespmem:$0x1F780] =	vst v63  }
0x76: {  	_ = 	snop  }
0x77: {  	[spmem:s2] =	stream.indirect.scatter.add.f32 [tilespmem:s22], [sflag:$0x4], $0x80, s26, s18, $0xb8;
	[tilespmem:$0x1F780] =	vst v63  }
0x78: {  	_ =	swait.ge [sflag:s20], $0x2800  }
0x79: {  	[sflag:s20] =	ssyncset.done $0x0  }
0x7a: {  	[sflag:s20] =	ssyncadd.s32 $0xFFFFD800  }
0x7b: {  	_ =	swait.ge [sflag:s28], $0x2800  }
0x7c: {  	[sflag:s28] =	ssyncset.done $0x0  }
0x7d: {  	s0 =	simm.s32 $0x140F0;
	[sflag:s28] =	ssyncadd.s32 $0xFFFFD800  }
0x7e: {  	[tilespmem:s22], [sflag:$0x2] =	stream.indirect.gather [hbm4b:s4+s18], $0x80, s0, s18, $0xb8;
	[tilespmem:$0x1F780] =	vst v63  }
0x7f: {  	s3 =	simm.s32 $0x16880  }
0x80: {  	[spmem:s2] =	stream.indirect.scatter.add.f32 [tilespmem:s19], [sflag:$0x3], $0x80, s3, s18, $0xb8;
	[tilespmem:$0x1F780] =	vst v63  }
0x81: {  	_ =	swait.ge [sflag:s23], $0x2800  }
0x82: {  	[sflag:s23] =	ssyncset.done $0x0  }
0x83: {  	[sflag:s23] =	ssyncadd.s32 $0xFFFFD800  }
0x84: {  	_ =	swait.ge [sflag:s24], $0x2800  }
0x85: {  	s14 =	simm.s32 $0x14140;
	s31 =	simm.s32 $0x16900;
	[sflag:s24] =	ssyncset.done $0x0  }
0x86: {  	s1 =	simm.s32 $0x16A00;
	s0 =	simm.s32 $0xFFFF6A00;
	[sflag:s24] =	ssyncadd.s32 $0xFFFFD800  }
0x87: {  	[tilespmem:s19], [sflag:$0x1] =	stream.indirect.gather [hbm4b:s4+s18], $0x80, s14, s18, $0xb8;
	[tilespmem:$0x1F780] =	vst v63  }
.LBB2_3:
0x88: {  	[spmem:s2] =	stream.indirect.scatter.add.f32 [tilespmem:s22], [sflag:$0x4], $0x80, s31, s18, $0xb8;
	[tilespmem:$0x1F780] =	vst v63  }
0x89: {  	s3 =	smov.u32 s0;
	s31 =	smov.u32 s1  }
0x8a: {  	p1 =	seq.s32 s0, $0xFFFFFD80;
	s0 =	sadd.s32 $0x280, s0;
	_ =	swait.ge [sflag:s20], $0x2800  }
0x8b: {  	[sflag:s20] =	ssyncset.done $0x0  }
0x8c: {  	[sflag:s20] =	ssyncadd.s32 $0xFFFFD800  }
0x8d: {  	_ =	swait.ge [sflag:s28], $0x2800  }
0x8e: {  	s3 =	sshra.s32 s3, $0x2;
	[sflag:s28] =	ssyncset.done $0x0  }
0x8f: {  	s14 =	sadd.s32 $0x16710, s3;
	[sflag:s28] =	ssyncadd.s32 $0xFFFFD800  }
0x90: {  	[tilespmem:s22], [sflag:$0x2] =	stream.indirect.gather [hbm4b:s4+s18], $0x80, s14, s18, $0xb8;
	[tilespmem:$0x1F780] =	vst v63  }
0x91: {  	s14 =	sadd.s32 $0xFFFFFF80, s1  }
0x92: {  	[spmem:s2] =	stream.indirect.scatter.add.f32 [tilespmem:s19], [sflag:$0x3], $0x80, s14, s18, $0xb8;
	[tilespmem:$0x1F780] =	vst v63  }
0x93: {  	_ =	swait.ge [sflag:s23], $0x2800  }
0x94: {  	[sflag:s23] =	ssyncset.done $0x0  }
0x95: {  	[sflag:s23] =	ssyncadd.s32 $0xFFFFD800  }
.Ltmp5:
0x96: {  	_ =	swait.ge [sflag:s24], $0x2800;
	(pc) =	sbr.rel @!p1 .LBB2_3-.Ltmp5, $4  }
0x97: {  	[sflag:s24] =	ssyncset.done $0x0  }
0x98: {  	s3 =	sadd.s32 $0x16760, s3;
	[sflag:s24] =	ssyncadd.s32 $0xFFFFD800  }
0x99: {  	[tilespmem:s19], [sflag:$0x1] =	stream.indirect.gather [hbm4b:s4+s18], $0x80, s3, s18, $0xb8;
	[tilespmem:$0x1F780] =	vst v63  }
0x9a: {  	s1 =	sadd.s32 $0x100, s1  }
0x9b: {  	[spmem:s2] =	stream.indirect.scatter.add.f32 [tilespmem:s22], [sflag:$0x4], $0x80, s31, s18, $0xb8;
	[tilespmem:$0x1F780] =	vst v63  }
.Ltmp6:
0x9c: {  	_ = 	snop;
	(pc) =	sbr.rel .LBB2_8-.Ltmp6, $4  }
0x9d: {  	_ =	swait.ge [sflag:s20], $0x2800  }
0x9e: {  	[sflag:s20] =	ssyncset.done $0x0  }
0x9f: {  	[sflag:s20] =	ssyncadd.s32 $0xFFFFD800  }
0xa0: {  	[spmem:s2] =	stream.indirect.scatter.add.f32 [tilespmem:s19], [sflag:$0x3], $0x80, s29, s18, $0xb8;
	[tilespmem:$0x1F780] =	vst v63  }
.LBB2_9:
0xa1: {  	_ =	sfence.sel $0x180000  }
0xa2: {  	[bflag:$0x0] =	sbarrier.arrive $0xFFFF  }
0xa3: {  	_ =	strace $0x9000004A  }
0xa4: {  	s0 =	stileid.u32;
	[bflag:$0x2] =	sbarrier.arrive $0xFFFF  }
0xa5: {  	p0 =	sne.s32 s0, $0x0;
	s0 =	rddreg [dreg:$0x3]  }
0xa6: {  	s0 =	sadd.s32 @!p0 $0x100000, s0  }
0xa7: {  	[sflag:s0] =	ssyncadd.tile.s32 @!p0 $0x1;
	_ =	shalt  }
.Lfunc_end2:
_tile_overlayer_lowered:
.L_overlay_start_2:
0xa8: {  	(tag) =	ssettag $0x2  }
0xa9: {  	s0 =	rddreg [dreg:$0x0];
	s2 =	stileid.u32  }
0xaa: {  	s1 =	rddreg [dreg:$0x1];
	p0 =	sne.s32 s2, $0x0  }
0xab: {  	s3 =	rddreg [dreg:$0x2];
	[bflag:$0x3] =	sbarrier.arrive $0xFFFF;
	s2 =	simm.s32 @!p0 $0x1C05  }
0xac: {  	[timem:s3], [sflag:s2] =	dma.local @!p0 [hbm:s0], s1  }
0xad: {  	s0 =	simm.s32 @!p0 $0x5  }
0xae: {  	_ =	swait.ge @!p0 [sflag:s0], s1  }
0xaf: {  	s1 =	ssub.s32 @!p0 $0x0, s1;
	[sflag:s0] =	ssyncset.done @!p0 $0x0  }
0xb0: {  	[sflag:s0] =	ssyncadd.s32 @!p0 s1  }
0xb1: {  	[bflag:$0x3] =	sbarrier.arrive $0xFFFF  }
0xb2: {  	_ =	shalt  }

// kernel: kernel.14.cloned.1.call-start
scs
__scs_entry_jumppad:
0x0: {  	(pc) =	sbr.rel $0x88, $3  }
0x1: {  	(tag) =	ssettag $0x0;
	lr =	simm.s32 $0x1  }
0x2: {  	[smem:$0x3F9B] =	sst lr;
	_ =	strace $0xD0000000  }
0x3: {  	_ = 	snop  }
0x4: {  	_ = 	snop  }
0x5: {  	_ = 	snop  }
0x6: {  	_ = 	snop  }
0x7: {  	_ = 	snop  }
__scs_overlays_trampoline_lowered:
0x8: {  	[smem:$0x3FAA] =	sst s0  }
0x9: {  	[smem:$0x3FAB] =	sst s1  }
0xa: {  	[smem:$0x3FAC] =	sst s2  }
0xb: {  	[smem:$0x3FAD] =	sst s3  }
0xc: {  	[smem:$0x3FAE] =	sst s4  }
0xd: {  	[smem:$0x3FAF] =	sst s5  }
0xe: {  	[smem:$0x3FB0] =	sst s6  }
0xf: {  	[smem:$0x3FB1] =	sst s7  }
0x10: {  	[smem:$0x3FB2] =	sst s8  }
0x11: {  	[smem:$0x3FB3] =	sst s9;
	s0 =	simm.s32 @!p0 $0x0  }
0x12: {  	s1 =	sld [smem:$0x3F99];
	s0 =	simm.s32 @p0 $0x1  }
0x13: {  	[smem:$0x3FB4] =	sst s0;
	s0 =	simm.s32 @!p1 $0x0  }
0x14: {  	s2 =	sld [smem:$0x3F98];
	s0 =	simm.s32 @p1 $0x1  }
0x15: {  	[smem:$0x3FB5] =	sst s0;
	s0 =	simm.s32 @!p2 $0x0  }
0x16: {  	s3 =	sld [smem:$0x3FDB];
	s0 =	simm.s32 @p2 $0x1  }
0x17: {  	s4 =	simm.s32 $0x1BF5;
	[smem:$0x3FB7] =	sst s0  }
0x18: {  	s0 =	sld [smem:$0x3F9A];
	_ =	swait.ge [sflag:s4], $0x0  }
0x19: {  	s7 =	sld [smem:$0x3F9B]  }
0x1a: {  	s8 =	sadd.s32 $0xFFFFE003, lr  }
0x1b: {  	s9 =	sadd.s32 $0xFFFFFEF7, lr;
	s5 =	simm.s32 $0xFFFFFFFF;
	p2 =	slt.u32 s8, $0xFFFFF086  }
0x1c: {  	p1 =	slt.u32 s9, $0xF7A;
	s5 =	simm.s32 @!p2 $0x0  }
0x1d: {  	s5 =	simm.s32 @p1 $0x1;
	p0 =	seq.s32 s7, s2  }
0x1e: {  	s7 =	smul.u32 @!p0 $0xF7A, s2;
	p2 =	seq.s32 @!p0 s5, $0x0  }
0x1f: {  	s9 =	smul.u32 $0xF7A, s1;
	s8 =	simm.s32 @!p0 $0x1BF5;
	p2 =	por !p2, p0  }
0x20: {  	[sflag:s8] =	ssyncset.s32 @!p0 $0xFFFFF086;
	s6 =	sadd.s32 @!p0 s3, s7;
	s7 =	simm.s32 @!p0 $0x108  }
0x21: {  	s3 =	sadd.s32 s3, s9;
	s6 =	sadd.s32 @!p0 $0x88, s6;
	s7 =	simm.s32 @p2 $0x1082  }
0x22: {  	[simem:s7], [sflag:s8] =	dma.local @!p0 [hbm:s6], $0xF7A  }
0x23: {  	s9 =	sor.u32 $0xD0000000, s2;
	s6 =	simm.s32 $0x108;
	_ =	swait.ge @!p0 [sflag:s8], $0x0  }
0x24: {  	s3 =	sadd.s32 $0x88, s3;
	s6 =	simm.s32 @!p1 $0x1082;
	[sflag:s4] =	ssyncset.s32 $0xFFFFF086  }
0x25: {  	[simem:s6], [sflag:s4] =	dma.local [hbm:s3], $0xF7A  }
0x26: {  	[smem:$0x3F9B] =	sst s1;
	(tag) =	ssettag s2;
	_ =	strace s9  }
0x27: {  	s1 =	sld [smem:$0x3FAB]  }
0x28: {  	s2 =	sld [smem:$0x3FAC]  }
0x29: {  	s4 =	sld [smem:$0x3FAE]  }
0x2a: {  	p0 =	seq.s32 s5, $0x0;
	s5 =	sld [smem:$0x3FAF]  }
0x2b: {  	s6 =	sld [smem:$0x3FB0]  }
0x2c: {  	s7 =	sld [smem:$0x3FB1]  }
0x2d: {  	s3 =	simm.s32 $0x108;
	s8 =	sld [smem:$0x3FB2]  }
0x2e: {  	s3 =	simm.s32 @!p0 $0x1082;
	s9 =	sld [smem:$0x3FB3]  }
0x2f: {  	lr =	sadd.s32 s0, s3;
	s0 =	sld [smem:$0x3FAA]  }
0x30: {  	s3 =	sld [smem:$0x3FAD]  }
0x31: {  	[smem:$0x3FB6] =	sst s10  }
0x32: {  	s10 =	sld [smem:$0x3FB4];
	_ =	sdelay $0x3  }
0x33: {  	p0 =	seq.s32 s10, $0x1;
	s10 =	sld [smem:$0x3FB6];
	_ =	sdelay $0x3  }
0x34: {  	[smem:$0x3FB6] =	sst s10  }
0x35: {  	s10 =	sld [smem:$0x3FB5];
	_ =	sdelay $0x3  }
0x36: {  	p1 =	seq.s32 s10, $0x1;
	s10 =	sld [smem:$0x3FB6];
	_ =	sdelay $0x3  }
0x37: {  	[smem:$0x3FB6] =	sst s10  }
0x38: {  	s10 =	sld [smem:$0x3FB7]  }
0x39: {  	_ = 	snop;
	(pc) =	sbr.ind lr, $3  }
0x3a: {  	_ = 	snop  }
0x3b: {  	_ = 	snop  }
0x3c: {  	p2 =	seq.s32 s10, $0x1;
	s10 =	sld [smem:$0x3FB6]  }
0x3d: {  	_ =	shalt  }
0x3e: {  	_ =	shalt  }
0x3f: {  	_ =	shalt  }
0x40: {  	_ =	shalt  }
0x41: {  	_ =	shalt  }
0x42: {  	_ =	shalt  }
0x43: {  	_ =	shalt  }
0x44: {  	_ =	shalt  }
0x45: {  	_ =	shalt  }
0x46: {  	_ =	shalt  }
0x47: {  	_ =	shalt  }
0x48: {  	_ =	shalt  }
0x49: {  	_ =	shalt  }
0x4a: {  	_ =	shalt  }
0x4b: {  	_ =	shalt  }
0x4c: {  	_ =	shalt  }
0x4d: {  	_ =	shalt  }
0x4e: {  	_ =	shalt  }
0x4f: {  	_ =	shalt  }
0x50: {  	_ =	shalt  }
0x51: {  	_ =	shalt  }
0x52: {  	_ =	shalt  }
0x53: {  	_ =	shalt  }
0x54: {  	_ =	shalt  }
0x55: {  	_ =	shalt  }
0x56: {  	_ =	shalt  }
0x57: {  	_ =	shalt  }
0x58: {  	_ =	shalt  }
0x59: {  	_ =	shalt  }
0x5a: {  	_ =	shalt  }
0x5b: {  	_ =	shalt  }
0x5c: {  	_ =	shalt  }
0x5d: {  	_ =	shalt  }
0x5e: {  	_ =	shalt  }
0x5f: {  	_ =	shalt  }
0x60: {  	_ =	shalt  }
0x61: {  	_ =	shalt  }
0x62: {  	_ =	shalt  }
0x63: {  	_ =	shalt  }
0x64: {  	_ =	shalt  }
0x65: {  	_ =	shalt  }
0x66: {  	_ =	shalt  }
0x67: {  	_ =	shalt  }
0x68: {  	_ =	shalt  }
0x69: {  	_ =	shalt  }
0x6a: {  	_ =	shalt  }
0x6b: {  	_ =	shalt  }
0x6c: {  	_ =	shalt  }
0x6d: {  	_ =	shalt  }
0x6e: {  	_ =	shalt  }
0x6f: {  	_ =	shalt  }
0x70: {  	_ =	shalt  }
0x71: {  	_ =	shalt  }
0x72: {  	_ =	shalt  }
0x73: {  	_ =	shalt  }
0x74: {  	_ =	shalt  }
0x75: {  	_ =	shalt  }
0x76: {  	_ =	shalt  }
0x77: {  	_ =	shalt  }
0x78: {  	_ =	shalt  }
0x79: {  	_ =	shalt  }
0x7a: {  	_ =	shalt  }
0x7b: {  	_ =	shalt  }
0x7c: {  	_ =	shalt  }
0x7d: {  	_ =	shalt  }
0x7e: {  	_ =	shalt  }
0x7f: {  	_ =	shalt  }
0x80: {  	_ =	shalt  }
0x81: {  	_ =	shalt  }
0x82: {  	_ =	shalt  }
0x83: {  	_ =	shalt  }
0x84: {  	_ =	shalt  }
0x85: {  	_ =	shalt  }
0x86: {  	_ =	shalt  }
0x87: {  	_ =	shalt  }
.Lfunc_end0:
.L_simem_size_0:
called_computation.2_lowered:
.L_overlay_start_0:
0x88: {  	s2 =	sld [smem:$0x3FD9]  }
0x89: {  	s3 =	sld [smem:$0x3FFE];
	_ =	sdelay $0x1  }
0x8a: {  	s1 =	srdreg.scid  }
0x8b: {  	s0 =	sand.u32 $0x1, s1  }
0x8c: {  	s16 =	sshll.u32 s0, $0xA;
	s2 =	sadd.s32 s3, s2  }
0x8d: {  	s2 =	sadd.s32 s2, s16  }
0x8e: {  	[smem:$0x3FC2] =	sst s2  }
0x8f: {  	_ = 	snop  }
0x90: {  	(tm) =	ssettm $0x1  }
0x91: {  	s17 =	sld [smem:$0x3FFB];
	_ =	sdelay $0x3  }
0x92: {  	_ =	strace s17  }
0x93: {  	s2 =	sld [smem:$0x3FFC];
	_ =	sdelay $0x3  }
0x94: {  	_ =	strace s2  }
0x95: {  	s2 =	sld [smem:$0x3FFD];
	_ =	sdelay $0x3  }
0x96: {  	_ =	strace s2  }
0x97: {  	_ =	strace $0x8FFFFFFF  }
0x98: {  	s18 =	sld [smem:$0x3FDB];
	_ =	sdelay $0x1  }
0x99: {  	s19 =	simm.s32 $_scs_section_size  }
0x9a: {  	s4 =	simm.s32 $_size__tile_overlayer_lowered;
	s5 =	simm.s32 $_tile_overlayer_lowered  }
0x9b: {  	s22 =	simm.s32 $0x1BFF;
	s21 =	sshll.u32 s5, $0x1;
	s2 =	sadd.s32 s19, s18  }
0x9c: {  	s6 =	simm.s32 $0x0;
	s20 =	sshll.u32 s4, $0x1;
	s4 =	sadd.s32 s21, s2  }
0x9d: {  	[timem:s6], [sflag:s22] =	dma.local [hbm:s4], s20  }
0x9e: {  	_ =	swait.ge [sflag:s22], s20  }
0x9f: {  	s3 =	ssub.s32 $0x0, s20;
	[sflag:s22] =	ssyncset.done $0x0  }
0xa0: {  	[sflag:s22] =	ssyncadd.s32 s3;
	_ =	sdelay $0x1  }
0xa1: {  	s23 =	simm.s32 $0x1B8B  }
0xa2: {  	_ =	swait.ge [sflag:s23], $0x1  }
0xa3: {  	[sflag:s23] =	ssyncset.done $0x0  }
0xa4: {  	s25 =	simm.s32 $0x1B8E;
	s24 =	sld [smem:$0x3FFE];
	[sflag:s23] =	ssyncadd.s32 $0xFFFFFFFF  }
0xa5: {  	s26 =	simm.s32 $execute0_lowered;
	[smem:$0x3FD2] =	sst s25  }
0xa6: {  	s4 =	sshll.u32 s26, $0x1;
	_ =	strace $0x8000004C;
	[dreg:$0x1] =	wrdreg $0xFFFFFFFF  }
0xa7: {  	s28 =	simm.s32 $_size_execute0_lowered;
	s2 =	sadd.s32 s2, s4;
	[dreg:$0x0] =	wrdreg $0x0  }
0xa8: {  	s4 =	sshll.u32 s28, $0x1;
	[dreg:$0x2] =	wrdreg s2  }
0xa9: {  	[dreg:$0x3] =	wrdreg s4  }
0xaa: {  	[dreg:$0x4] =	wrdreg $0xC0  }
0xab: {  	_ =	task [dreg:s6], $0x5FFFF  }
0xac: {  	[dreg:$0x1] =	wrdreg $0xFFFFFFFF  }
0xad: {  	[dreg:$0x0] =	wrdreg $0x60  }
0xae: {  	[dreg:$0x2] =	wrdreg s24  }
0xaf: {  	[dreg:$0x3] =	wrdreg $0x0  }
0xb0: {  	[dreg:$0x4] =	wrdreg $0x9  }
0xb1: {  	_ =	task.clear_ibuf [dreg:s6], $0x5FFFF;
	_ =	strace $0x9000004C  }
0xb2: {  	s29 =	simm.s32 $0x9;
	_ =	strace $0x8000004E  }
0xb3: {  	_ =	swait.ge [sflag:s29], $0x1  }
0xb4: {  	[sflag:s29] =	ssyncadd.s32 $0xFFFFFFFF  }
0xb5: {  	_ =	strace $0x9000004E  }
0xb6: {  	_ =	sfence  }
0xb7: {  	s30 =	sld [smem:$0x0];
	_ =	sdelay $0x2  }
0xb8: {  	s31 =	sshll.u32 s1, $0xD;
	s1 =	sshrl.u32 s1, $0x2  }
0xb9: {  	s3 =	sand.u32 $0x4000, s31;
	s1 =	sadd.s32 s1, s30  }
0xba: {  	s0 =	sor.u32 s3, s0;
	s1 =	sshll.u32 s1, $0x11  }
0xbb: {  	s0 =	sor.u32 s1, s0  }
0xbc: {  	s0 =	sadd.s32 $0x8F2B, s0  }
0xbd: {  	[sflag:s0] =	ssyncadd.remote.s32 $0x1  }
0xbe: {  	_ =	sfence.sel $0xFFFF  }
0xbf: {  	[dreg:$0x0] =	wrdreg $0xFFFFFFFF;
	(pc) =	sbr.abs _section_cstart, $3  }
0xc0: {  	[dreg:$0x1] =	wrdreg $0xFFFFFFFF  }
0xc1: {  	_ =	task.clear_ibuf [dreg:s6], $0x2FFFF;
	_ =	strace $0x9FFFFFFF  }
0xc2: {  	(tm) =	ssettm $0x7FFFFFFF  }
0xc3: {  	_ =	shalt  }
tec
execute0_lowered:
.L_overlay_start_1:
0x0: {  	(tag) =	ssettag $0x1  }
0x1: {  	s6 =	rddreg [dreg:$0x0]  }
0x2: {  	s2 =	rddreg [dreg:$0x1]  }
0x3: {  	s0 =	srdreg.scid;
	s1 =	rddreg [dreg:$0x2];
	s3 =	simm.s32 $0x0  }
0x4: {  	s14 =	simm.s32 $0x15400;
	s15 =	simm.s32 $0x7D;
	s16 =	simm.s32 $0x16800  }
0x5: {  	s17 =	simm.s32 $0x1;
	s18 =	simm.s32 $0x14080;
	s19 =	simm.s32 $0x1A800  }
0x6: {  	s20 =	simm.s32 $0x2;
	s21 =	simm.s32 $0x3;
	s7 =	sand.u32 $0x1, s0  }
0x7: {  	s22 =	simm.s32 $0x14100;
	s0 =	stileid.u32;
	s4 =	smul.u32 $0x14000, s7  }
0x8: {  	s23 =	simm.s32 $0x15480;
	s24 =	simm.s32 $0x4;
	s5 =	smul.u32 $0x1400, s0  }
0x9: {  	s25 =	simm.s32 $0x14180;
	[smem:$0x7FF] =	sst s3;
	s8 =	smul.u32 $0x140000, s7  }
0xa: {  	s28 =	simm.s32 $0x0;
	s9 =	smul.u32 $0x14000, s0;
	_ =	strace $0x8000004D  }
0xb: {  	s10 =	smul.u32 $0x50000, s0;
	s29 =	ssub.s32 $0x2, s7;
	s31 =	sshll.u32 s0, $0x6  }
0xc: {  	s7 =	sshrl.u32 s29, $0x1;
	s5 =	sadd.s32 s5, s4;
	s4 =	sadd.s32 $0x8C00, s6  }
0xd: {  	s8 =	sadd.s32 s9, s8;
	s30 =	sshrl.u32 s10, $0x2;
	s12 =	ssub.s32 s29, s7  }
0xe: {  	s5 =	sshrl.u32 s5, $0x3;
	s8 =	sshrl.u32 s8, $0x3;
	s13 =	sadd.s32 s30, s2  }
0xf: {  	s10 =	smax.u32 s12, $0x1;
	s12 =	simm.s32 $0x5;
	s26 =	sadd.s32 s5, s6  }
0x10: {  	s5 =	sadd.s32 $0x6400, s6;
	s11 =	sadd.s32 s8, s6;
	s6 =	sor.u32 $0x1C05, s31  }
0x11: {  	s7 =	sadd.s32 $0xAE400, s26;
	s8 =	sadd.s32 $0x1400, s26;
	s9 =	sadd.s32 $0x2FE00, s11  }
0x12: {  	s11 =	sshrl.u32 s13, $0x3;
	s13 =	simm.s32 $0x14000;
	s26 =	simm.s32 $0x15500  }
.LBB2_1:
0x13: {  	[spmem:s11], [sflag:s6] =	dma.local [hbm:s5], $0x2800  }
0x14: {  	_ =	swait.ge [sflag:s12], $0x2800  }
0x15: {  	[sflag:s12] =	ssyncset.done $0x0  }
0x16: {  	[sflag:s12] =	ssyncadd.s32 $0xFFFFD800  }
0x17: {  	[tilespmem:s13], [sflag:$0x5] =	stream.linear.gather [hbm4b:s7+s3], $0x1400, $0x38;
	[tilespmem:$0x1E800] =	vst v63  }
0x18: {  	_ =	swait.ge [sflag:s12], $0x1400  }
0x19: {  	[sflag:s12] =	ssyncset.done $0x0  }
0x1a: {  	[sflag:s12] =	ssyncadd.s32 $0xFFFFEC00  }
0x1b: {  	[tilespmem:s14], [sflag:$0x5] =	stream.linear.gather [hbm4b:s8+s3], $0x1400, $0x38;
	[tilespmem:$0x1E800] =	vst v63  }
0x1c: {  	_ =	swait.ge [sflag:s12], $0x1400  }
0x1d: {  	[sflag:s12] =	ssyncset.done $0x0  }
0x1e: {  	[sflag:s12] =	ssyncadd.s32 $0xFFFFEC00  }
0x1f: {  	[bflag:$0x0] =	sbarrier.arrive $0xFFFF  }
0x20: {  	[tilespmem:s16], [sflag:$0x1] =	stream.indirect.gather [hbm4b:s4+s15], $0x80, s13, s15, $0xb8;
	[tilespmem:$0x1E800] =	vst v63  }
0x21: {  	_ =	swait.ge [sflag:s17], $0x3E80  }
0x22: {  	[sflag:s17] =	ssyncset.done $0x0  }
0x23: {  	[sflag:s17] =	ssyncadd.s32 $0xFFFFC180  }
0x24: {  	[tilespmem:s19], [sflag:$0x2] =	stream.indirect.gather [hbm4b:s4+s15], $0x80, s18, s15, $0xb8;
	[tilespmem:$0x1E800] =	vst v63  }
0x25: {  	_ = 	snop  }
0x26: {  	[spmem:s2] =	stream.indirect.scatter.add.f32 [tilespmem:s16], [sflag:$0x3], $0x80, s14, s15, $0xb8;
	[tilespmem:$0x1E800] =	vst v63  }
0x27: {  	_ =	swait.ge [sflag:s20], $0x3E80  }
0x28: {  	[sflag:s20] =	ssyncset.done $0x0  }
0x29: {  	[sflag:s20] =	ssyncadd.s32 $0xFFFFC180  }
0x2a: {  	_ =	swait.ge [sflag:s21], $0x3E80  }
0x2b: {  	[sflag:s21] =	ssyncset.done $0x0  }
0x2c: {  	[sflag:s21] =	ssyncadd.s32 $0xFFFFC180  }
0x2d: {  	[tilespmem:s16], [sflag:$0x1] =	stream.indirect.gather [hbm4b:s4+s15], $0x80, s22, s15, $0xb8;
	[tilespmem:$0x1E800] =	vst v63  }
0x2e: {  	_ = 	snop  }
0x2f: {  	[spmem:s2] =	stream.indirect.scatter.add.f32 [tilespmem:s19], [sflag:$0x4], $0x80, s23, s15, $0xb8;
	[tilespmem:$0x1E800] =	vst v63  }
0x30: {  	_ =	swait.ge [sflag:s17], $0x3E80  }
0x31: {  	[sflag:s17] =	ssyncset.done $0x0  }
0x32: {  	[sflag:s17] =	ssyncadd.s32 $0xFFFFC180  }
0x33: {  	_ =	swait.ge [sflag:s24], $0x3E80  }
0x34: {  	[sflag:s24] =	ssyncset.done $0x0  }
0x35: {  	[sflag:s24] =	ssyncadd.s32 $0xFFFFC180  }
0x36: {  	[tilespmem:s19], [sflag:$0x2] =	stream.indirect.gather [hbm4b:s4+s15], $0x80, s25, s15, $0xb8;
	[tilespmem:$0x1E800] =	vst v63  }
0x37: {  	_ = 	snop  }
0x38: {  	[spmem:s2] =	stream.indirect.scatter.add.f32 [tilespmem:s16], [sflag:$0x3], $0x80, s26, s15, $0xb8;
	[tilespmem:$0x1E800] =	vst v63  }
0x39: {  	_ =	swait.ge [sflag:s20], $0x3E80  }
0x3a: {  	[sflag:s20] =	ssyncset.done $0x0  }
0x3b: {  	[sflag:s20] =	ssyncadd.s32 $0xFFFFC180  }
0x3c: {  	_ =	swait.ge [sflag:s21], $0x3E80  }
0x3d: {  	[sflag:s21] =	ssyncset.done $0x0  }
0x3e: {  	s29 =	simm.s32 $0x14200;
	[sflag:s21] =	ssyncadd.s32 $0xFFFFC180  }
0x3f: {  	[tilespmem:s16], [sflag:$0x1] =	stream.indirect.gather [hbm4b:s4+s15], $0x80, s29, s15, $0xb8;
	[tilespmem:$0x1E800] =	vst v63  }
0x40: {  	s29 =	simm.s32 $0x15580  }
0x41: {  	[spmem:s2] =	stream.indirect.scatter.add.f32 [tilespmem:s19], [sflag:$0x4], $0x80, s29, s15, $0xb8;
	[tilespmem:$0x1E800] =	vst v63  }
0x42: {  	_ =	swait.ge [sflag:s17], $0x3E80  }
0x43: {  	[sflag:s17] =	ssyncset.done $0x0  }
0x44: {  	[sflag:s17] =	ssyncadd.s32 $0xFFFFC180  }
0x45: {  	_ =	swait.ge [sflag:s24], $0x3E80  }
0x46: {  	[sflag:s24] =	ssyncset.done $0x0  }
0x47: {  	s29 =	simm.s32 $0x14280;
	[sflag:s24] =	ssyncadd.s32 $0xFFFFC180  }
0x48: {  	[tilespmem:s19], [sflag:$0x2] =	stream.indirect.gather [hbm4b:s4+s15], $0x80, s29, s15, $0xb8;
	[tilespmem:$0x1E800] =	vst v63  }
0x49: {  	s29 =	simm.s32 $0x15600  }
0x4a: {  	[spmem:s2] =	stream.indirect.scatter.add.f32 [tilespmem:s16], [sflag:$0x3], $0x80, s29, s15, $0xb8;
	[tilespmem:$0x1E800] =	vst v63  }
0x4b: {  	_ =	swait.ge [sflag:s20], $0x3E80  }
0x4c: {  	s29 =	simm.s32 $0xFFFFBC00;
	[sflag:s20] =	ssyncset.done $0x0  }
.LBB2_2:
0x4d: {  	[sflag:s20] =	ssyncadd.s32 $0xFFFFC180;
	s30 =	smov.u32 s29;
	s29 =	sadd.s32 $0x400, s29  }
0x4e: {  	p0 =	sne.s32 s29, $0x0  }
0x4f: {  	_ =	swait.ge [sflag:s21], $0x3E80  }
0x50: {  	s30 =	sshra.s32 s30, $0x2;
	[sflag:s21] =	ssyncset.done $0x0  }
0x51: {  	s31 =	sadd.s32 $0x15400, s30;
	[sflag:s21] =	ssyncadd.s32 $0xFFFFC180  }
0x52: {  	[tilespmem:s16], [sflag:$0x1] =	stream.indirect.gather [hbm4b:s4+s15], $0x80, s31, s15, $0xb8;
	[tilespmem:$0x1E800] =	vst v63  }
0x53: {  	s31 =	sadd.s32 $0x16780, s30  }
0x54: {  	[spmem:s2] =	stream.indirect.scatter.add.f32 [tilespmem:s19], [sflag:$0x4], $0x80, s31, s15, $0xb8;
	[tilespmem:$0x1E800] =	vst v63  }
0x55: {  	_ =	swait.ge [sflag:s17], $0x3E80  }
0x56: {  	[sflag:s17] =	ssyncset.done $0x0  }
0x57: {  	[sflag:s17] =	ssyncadd.s32 $0xFFFFC180  }
0x58: {  	_ =	swait.ge [sflag:s24], $0x3E80  }
0x59: {  	[sflag:s24] =	ssyncset.done $0x0  }
0x5a: {  	s31 =	sadd.s32 $0x15480, s30;
	[sflag:s24] =	ssyncadd.s32 $0xFFFFC180  }
0x5b: {  	[tilespmem:s19], [sflag:$0x2] =	stream.indirect.gather [hbm4b:s4+s15], $0x80, s31, s15, $0xb8;
	[tilespmem:$0x1E800] =	vst v63  }
.Ltmp0:
0x5c: {  	_ = 	snop;
	(pc) =	sbr.rel @p0 .LBB2_2-.Ltmp0, $4  }
0x5d: {  	s30 =	sadd.s32 $0x16800, s30  }
0x5e: {  	[spmem:s2] =	stream.indirect.scatter.add.f32 [tilespmem:s16], [sflag:$0x3], $0x80, s30, s15, $0xb8;
	[tilespmem:$0x1E800] =	vst v63  }
0x5f: {  	_ =	swait.ge [sflag:s20], $0x3E80  }
0x60: {  	[sflag:s20] =	ssyncset.done $0x0  }
0x61: {  	s29 =	sshra.s32 s29, $0x2  }
0x62: {  	[sflag:s20] =	ssyncadd.s32 $0xFFFFC180;
	s29 =	sadd.s32 $0x16780, s29  }
0x63: {  	[spmem:s2] =	stream.indirect.scatter.add.f32 [tilespmem:s19], [sflag:$0x4], $0x80, s29, s15, $0xb8;
	[tilespmem:$0x1E800] =	vst v63  }
0x64: {  	_ =	swait.ge [sflag:s24], $0x3E80  }
0x65: {  	[sflag:s24] =	ssyncset.done $0x0  }
0x66: {  	[sflag:s24] =	ssyncadd.s32 $0xFFFFC180  }
0x67: {  	_ =	swait.ge [sflag:s21], $0x3E80  }
0x68: {  	s28 =	sadd.s32 $0x1, s28;
	[sflag:s21] =	ssyncset.done $0x0  }
0x69: {  	p0 =	sne.s32 s28, s10;
	[sflag:s21] =	ssyncadd.s32 $0xFFFFC180  }
.Ltmp1:
0x6a: {  	[bflag:$0x0] =	sbarrier.arrive $0xFFFF;
	(pc) =	sbr.rel @p0 .LBB2_1-.Ltmp1, $4  }
0x6b: {  	[hbm:s9], [sflag:s6] =	dma.local [spmem:s11], $0x2800  }
0x6c: {  	_ =	swait.ge [sflag:s12], $0x2800  }
0x6d: {  	[sflag:s12] =	ssyncset.done $0x0  }
0x6e: {  	[sflag:s12] =	ssyncadd.s32 $0xFFFFD800  }
0x6f: {  	_ =	sfence.sel $0x180000  }
0x70: {  	[bflag:$0x0] =	sbarrier.arrive $0xFFFF  }
0x71: {  	p0 =	sne.s32 s0, $0x0;
	_ =	strace $0x9000004D  }
0x72: {  	s0 =	sadd.s32 @!p0 $0x100000, s1;
	[bflag:$0x2] =	sbarrier.arrive $0xFFFF  }
0x73: {  	[sflag:s0] =	ssyncadd.tile.s32 @!p0 $0x1;
	_ =	shalt  }
.Lfunc_end2:
_tile_overlayer_lowered:
.L_overlay_start_2:
0x74: {  	(tag) =	ssettag $0x2  }
0x75: {  	s0 =	rddreg [dreg:$0x0];
	s2 =	stileid.u32  }
0x76: {  	s1 =	rddreg [dreg:$0x1];
	p0 =	sne.s32 s2, $0x0  }
0x77: {  	s3 =	rddreg [dreg:$0x2];
	[bflag:$0x3] =	sbarrier.arrive $0xFFFF;
	s2 =	simm.s32 @!p0 $0x1C05  }
0x78: {  	[timem:s3], [sflag:s2] =	dma.local @!p0 [hbm:s0], s1  }
0x79: {  	s0 =	simm.s32 @!p0 $0x5  }
0x7a: {  	_ =	swait.ge @!p0 [sflag:s0], s1  }
0x7b: {  	s1 =	ssub.s32 @!p0 $0x0, s1;
	[sflag:s0] =	ssyncset.done @!p0 $0x0  }
0x7c: {  	[sflag:s0] =	ssyncadd.s32 @!p0 s1  }
0x7d: {  	[bflag:$0x3] =	sbarrier.arrive $0xFFFF  }
0x7e: {  	_ =	shalt  }

// kernel: kernel.8.cloned.1.call-start
scs
__scs_entry_jumppad:
0x0: {  	(pc) =	sbr.rel $0x88, $3  }
0x1: {  	(tag) =	ssettag $0x0;
	lr =	simm.s32 $0x1  }
0x2: {  	[smem:$0x3F9B] =	sst lr;
	_ =	strace $0xD0000000  }
0x3: {  	_ = 	snop  }
0x4: {  	_ = 	snop  }
0x5: {  	_ = 	snop  }
0x6: {  	_ = 	snop  }
0x7: {  	_ = 	snop  }
__scs_overlays_trampoline_lowered:
0x8: {  	[smem:$0x3FAA] =	sst s0  }
0x9: {  	[smem:$0x3FAB] =	sst s1  }
0xa: {  	[smem:$0x3FAC] =	sst s2  }
0xb: {  	[smem:$0x3FAD] =	sst s3  }
0xc: {  	[smem:$0x3FAE] =	sst s4  }
0xd: {  	[smem:$0x3FAF] =	sst s5  }
0xe: {  	[smem:$0x3FB0] =	sst s6  }
0xf: {  	[smem:$0x3FB1] =	sst s7  }
0x10: {  	[smem:$0x3FB2] =	sst s8  }
0x11: {  	[smem:$0x3FB3] =	sst s9;
	s0 =	simm.s32 @!p0 $0x0  }
0x12: {  	s1 =	sld [smem:$0x3F99];
	s0 =	simm.s32 @p0 $0x1  }
0x13: {  	[smem:$0x3FB4] =	sst s0;
	s0 =	simm.s32 @!p1 $0x0  }
0x14: {  	s2 =	sld [smem:$0x3F98];
	s0 =	simm.s32 @p1 $0x1  }
0x15: {  	[smem:$0x3FB5] =	sst s0;
	s0 =	simm.s32 @!p2 $0x0  }
0x16: {  	s3 =	sld [smem:$0x3FDB];
	s0 =	simm.s32 @p2 $0x1  }
0x17: {  	s4 =	simm.s32 $0x1BF5;
	[smem:$0x3FB7] =	sst s0  }
0x18: {  	s0 =	sld [smem:$0x3F9A];
	_ =	swait.ge [sflag:s4], $0x0  }
0x19: {  	s7 =	sld [smem:$0x3F9B]  }
0x1a: {  	s8 =	sadd.s32 $0xFFFFE003, lr  }
0x1b: {  	s9 =	sadd.s32 $0xFFFFFEF7, lr;
	s5 =	simm.s32 $0xFFFFFFFF;
	p2 =	slt.u32 s8, $0xFFFFF086  }
0x1c: {  	p1 =	slt.u32 s9, $0xF7A;
	s5 =	simm.s32 @!p2 $0x0  }
0x1d: {  	s5 =	simm.s32 @p1 $0x1;
	p0 =	seq.s32 s7, s2  }
0x1e: {  	s7 =	smul.u32 @!p0 $0xF7A, s2;
	p2 =	seq.s32 @!p0 s5, $0x0  }
0x1f: {  	s9 =	smul.u32 $0xF7A, s1;
	s8 =	simm.s32 @!p0 $0x1BF5;
	p2 =	por !p2, p0  }
0x20: {  	[sflag:s8] =	ssyncset.s32 @!p0 $0xFFFFF086;
	s6 =	sadd.s32 @!p0 s3, s7;
	s7 =	simm.s32 @!p0 $0x108  }
0x21: {  	s3 =	sadd.s32 s3, s9;
	s6 =	sadd.s32 @!p0 $0x88, s6;
	s7 =	simm.s32 @p2 $0x1082  }
0x22: {  	[simem:s7], [sflag:s8] =	dma.local @!p0 [hbm:s6], $0xF7A  }
0x23: {  	s9 =	sor.u32 $0xD0000000, s2;
	s6 =	simm.s32 $0x108;
	_ =	swait.ge @!p0 [sflag:s8], $0x0  }
0x24: {  	s3 =	sadd.s32 $0x88, s3;
	s6 =	simm.s32 @!p1 $0x1082;
	[sflag:s4] =	ssyncset.s32 $0xFFFFF086  }
0x25: {  	[simem:s6], [sflag:s4] =	dma.local [hbm:s3], $0xF7A  }
0x26: {  	[smem:$0x3F9B] =	sst s1;
	(tag) =	ssettag s2;
	_ =	strace s9  }
0x27: {  	s1 =	sld [smem:$0x3FAB]  }
0x28: {  	s2 =	sld [smem:$0x3FAC]  }
0x29: {  	s4 =	sld [smem:$0x3FAE]  }
0x2a: {  	p0 =	seq.s32 s5, $0x0;
	s5 =	sld [smem:$0x3FAF]  }
0x2b: {  	s6 =	sld [smem:$0x3FB0]  }
0x2c: {  	s7 =	sld [smem:$0x3FB1]  }
0x2d: {  	s3 =	simm.s32 $0x108;
	s8 =	sld [smem:$0x3FB2]  }
0x2e: {  	s3 =	simm.s32 @!p0 $0x1082;
	s9 =	sld [smem:$0x3FB3]  }
0x2f: {  	lr =	sadd.s32 s0, s3;
	s0 =	sld [smem:$0x3FAA]  }
0x30: {  	s3 =	sld [smem:$0x3FAD]  }
0x31: {  	[smem:$0x3FB6] =	sst s10  }
0x32: {  	s10 =	sld [smem:$0x3FB4];
	_ =	sdelay $0x3  }
0x33: {  	p0 =	seq.s32 s10, $0x1;
	s10 =	sld [smem:$0x3FB6];
	_ =	sdelay $0x3  }
0x34: {  	[smem:$0x3FB6] =	sst s10  }
0x35: {  	s10 =	sld [smem:$0x3FB5];
	_ =	sdelay $0x3  }
0x36: {  	p1 =	seq.s32 s10, $0x1;
	s10 =	sld [smem:$0x3FB6];
	_ =	sdelay $0x3  }
0x37: {  	[smem:$0x3FB6] =	sst s10  }
0x38: {  	s10 =	sld [smem:$0x3FB7]  }
0x39: {  	_ = 	snop;
	(pc) =	sbr.ind lr, $3  }
0x3a: {  	_ = 	snop  }
0x3b: {  	_ = 	snop  }
0x3c: {  	p2 =	seq.s32 s10, $0x1;
	s10 =	sld [smem:$0x3FB6]  }
0x3d: {  	_ =	shalt  }
0x3e: {  	_ =	shalt  }
0x3f: {  	_ =	shalt  }
0x40: {  	_ =	shalt  }
0x41: {  	_ =	shalt  }
0x42: {  	_ =	shalt  }
0x43: {  	_ =	shalt  }
0x44: {  	_ =	shalt  }
0x45: {  	_ =	shalt  }
0x46: {  	_ =	shalt  }
0x47: {  	_ =	shalt  }
0x48: {  	_ =	shalt  }
0x49: {  	_ =	shalt  }
0x4a: {  	_ =	shalt  }
0x4b: {  	_ =	shalt  }
0x4c: {  	_ =	shalt  }
0x4d: {  	_ =	shalt  }
0x4e: {  	_ =	shalt  }
0x4f: {  	_ =	shalt  }
0x50: {  	_ =	shalt  }
0x51: {  	_ =	shalt  }
0x52: {  	_ =	shalt  }
0x53: {  	_ =	shalt  }
0x54: {  	_ =	shalt  }
0x55: {  	_ =	shalt  }
0x56: {  	_ =	shalt  }
0x57: {  	_ =	shalt  }
0x58: {  	_ =	shalt  }
0x59: {  	_ =	shalt  }
0x5a: {  	_ =	shalt  }
0x5b: {  	_ =	shalt  }
0x5c: {  	_ =	shalt  }
0x5d: {  	_ =	shalt  }
0x5e: {  	_ =	shalt  }
0x5f: {  	_ =	shalt  }
0x60: {  	_ =	shalt  }
0x61: {  	_ =	shalt  }
0x62: {  	_ =	shalt  }
0x63: {  	_ =	shalt  }
0x64: {  	_ =	shalt  }
0x65: {  	_ =	shalt  }
0x66: {  	_ =	shalt  }
0x67: {  	_ =	shalt  }
0x68: {  	_ =	shalt  }
0x69: {  	_ =	shalt  }
0x6a: {  	_ =	shalt  }
0x6b: {  	_ =	shalt  }
0x6c: {  	_ =	shalt  }
0x6d: {  	_ =	shalt  }
0x6e: {  	_ =	shalt  }
0x6f: {  	_ =	shalt  }
0x70: {  	_ =	shalt  }
0x71: {  	_ =	shalt  }
0x72: {  	_ =	shalt  }
0x73: {  	_ =	shalt  }
0x74: {  	_ =	shalt  }
0x75: {  	_ =	shalt  }
0x76: {  	_ =	shalt  }
0x77: {  	_ =	shalt  }
0x78: {  	_ =	shalt  }
0x79: {  	_ =	shalt  }
0x7a: {  	_ =	shalt  }
0x7b: {  	_ =	shalt  }
0x7c: {  	_ =	shalt  }
0x7d: {  	_ =	shalt  }
0x7e: {  	_ =	shalt  }
0x7f: {  	_ =	shalt  }
0x80: {  	_ =	shalt  }
0x81: {  	_ =	shalt  }
0x82: {  	_ =	shalt  }
0x83: {  	_ =	shalt  }
0x84: {  	_ =	shalt  }
0x85: {  	_ =	shalt  }
0x86: {  	_ =	shalt  }
0x87: {  	_ =	shalt  }
.Lfunc_end0:
.L_simem_size_0:
called_computation_lowered:
.L_overlay_start_0:
0x88: {  	s2 =	sld [smem:$0x3FD9]  }
0x89: {  	s3 =	sld [smem:$0x3FFE];
	_ =	sdelay $0x1  }
0x8a: {  	s1 =	srdreg.scid  }
0x8b: {  	s0 =	sand.u32 $0x1, s1  }
0x8c: {  	s16 =	sshll.u32 s0, $0xA;
	s2 =	sadd.s32 s3, s2  }
0x8d: {  	s2 =	sadd.s32 s2, s16  }
0x8e: {  	[smem:$0x3FC2] =	sst s2  }
0x8f: {  	_ = 	snop  }
0x90: {  	(tm) =	ssettm $0x1  }
0x91: {  	s17 =	sld [smem:$0x3FFB];
	_ =	sdelay $0x3  }
0x92: {  	_ =	strace s17  }
0x93: {  	s2 =	sld [smem:$0x3FFC];
	_ =	sdelay $0x3  }
0x94: {  	_ =	strace s2  }
0x95: {  	s2 =	sld [smem:$0x3FFD];
	_ =	sdelay $0x3  }
0x96: {  	_ =	strace s2  }
0x97: {  	_ =	strace $0x8FFFFFFF  }
0x98: {  	s18 =	sld [smem:$0x3FDB];
	_ =	sdelay $0x1  }
0x99: {  	s19 =	simm.s32 $_scs_section_size  }
0x9a: {  	s4 =	simm.s32 $_size__tile_overlayer_lowered;
	s5 =	simm.s32 $_tile_overlayer_lowered  }
0x9b: {  	s22 =	simm.s32 $0x1BFF;
	s21 =	sshll.u32 s5, $0x1;
	s2 =	sadd.s32 s19, s18  }
0x9c: {  	s6 =	simm.s32 $0x0;
	s20 =	sshll.u32 s4, $0x1;
	s4 =	sadd.s32 s21, s2  }
0x9d: {  	[timem:s6], [sflag:s22] =	dma.local [hbm:s4], s20  }
0x9e: {  	_ =	swait.ge [sflag:s22], s20  }
0x9f: {  	s3 =	ssub.s32 $0x0, s20;
	[sflag:s22] =	ssyncset.done $0x0  }
0xa0: {  	[sflag:s22] =	ssyncadd.s32 s3;
	_ =	sdelay $0x1  }
0xa1: {  	s23 =	simm.s32 $0x1B8B  }
0xa2: {  	_ =	swait.ge [sflag:s23], $0x1  }
0xa3: {  	[sflag:s23] =	ssyncset.done $0x0  }
0xa4: {  	s25 =	simm.s32 $0x1B8E;
	s24 =	sld [smem:$0x3FFE];
	[sflag:s23] =	ssyncadd.s32 $0xFFFFFFFF  }
0xa5: {  	s26 =	simm.s32 $execute0_lowered;
	[smem:$0x3FD2] =	sst s25  }
0xa6: {  	s4 =	sshll.u32 s26, $0x1;
	_ =	strace $0x80000046;
	[dreg:$0x1] =	wrdreg $0xFFFFFFFF  }
0xa7: {  	s28 =	simm.s32 $_size_execute0_lowered;
	s2 =	sadd.s32 s2, s4;
	[dreg:$0x0] =	wrdreg $0x0  }
0xa8: {  	s4 =	sshll.u32 s28, $0x1;
	[dreg:$0x2] =	wrdreg s2  }
0xa9: {  	[dreg:$0x3] =	wrdreg s4  }
0xaa: {  	[dreg:$0x4] =	wrdreg $0xC0  }
0xab: {  	_ =	task [dreg:s6], $0x5FFFF  }
0xac: {  	[dreg:$0x1] =	wrdreg $0xFFFFFFFF  }
0xad: {  	[dreg:$0x0] =	wrdreg $0x60  }
0xae: {  	[dreg:$0x2] =	wrdreg s24  }
0xaf: {  	[dreg:$0x3] =	wrdreg $0x0  }
0xb0: {  	[dreg:$0x4] =	wrdreg $0x9  }
0xb1: {  	_ =	task.clear_ibuf [dreg:s6], $0x5FFFF;
	_ =	strace $0x90000046  }
0xb2: {  	s29 =	simm.s32 $0x9;
	_ =	strace $0x80000048  }
0xb3: {  	_ =	swait.ge [sflag:s29], $0x1  }
0xb4: {  	[sflag:s29] =	ssyncadd.s32 $0xFFFFFFFF  }
0xb5: {  	_ =	strace $0x90000048  }
0xb6: {  	_ =	sfence  }
0xb7: {  	s30 =	sld [smem:$0x0];
	_ =	sdelay $0x2  }
0xb8: {  	s31 =	sshll.u32 s1, $0xD;
	s1 =	sshrl.u32 s1, $0x2  }
0xb9: {  	s3 =	sand.u32 $0x4000, s31;
	s1 =	sadd.s32 s1, s30  }
0xba: {  	s0 =	sor.u32 s3, s0;
	s1 =	sshll.u32 s1, $0x11  }
0xbb: {  	s0 =	sor.u32 s1, s0  }
0xbc: {  	s0 =	sadd.s32 $0x8F2B, s0  }
0xbd: {  	[sflag:s0] =	ssyncadd.remote.s32 $0x1  }
0xbe: {  	_ =	sfence.sel $0xFFFF  }
0xbf: {  	[dreg:$0x0] =	wrdreg $0xFFFFFFFF;
	(pc) =	sbr.abs _section_cstart, $3  }
0xc0: {  	[dreg:$0x1] =	wrdreg $0xFFFFFFFF  }
0xc1: {  	_ =	task.clear_ibuf [dreg:s6], $0x2FFFF;
	_ =	strace $0x9FFFFFFF  }
0xc2: {  	(tm) =	ssettm $0x7FFFFFFF  }
0xc3: {  	_ =	shalt  }
tec
execute0_lowered:
.L_overlay_start_1:
0x0: {  	(tag) =	ssettag $0x1  }
0x1: {  	s0 =	srdreg.scid;
	s1 =	rddreg [dreg:$0x0]  }
0x2: {  	s9 =	stileid.u32;
	s2 =	rddreg [dreg:$0x1];
	s3 =	simm.s32 $0x0  }
0x3: {  	s11 =	simm.s32 $0x2;
	s12 =	simm.s32 $0x14000;
	s13 =	simm.s32 $0x18000  }
0x4: {  	s14 =	simm.s32 $0x7D;
	s21 =	simm.s32 $0x18C80;
	s22 =	simm.s32 $0x18D00  }
0x5: {  	s28 =	simm.s32 $0x18F80;
	s29 =	simm.s32 $0x19000;
	s30 =	simm.s32 $0x19080  }
0x6: {  	s31 =	simm.s32 $0x19100;
	s15 =	simm.s32 $0x19280;
	s5 =	smul.u32 $0x1400, s9  }
0x7: {  	s16 =	simm.s32 $0x19300;
	s17 =	simm.s32 $0x19380;
	s23 =	smul.u32 $0x14000, s9  }
0x8: {  	s18 =	simm.s32 $0x1;
	s0 =	sand.u32 $0x1, s0;
	s8 =	smul.u32 $0x50000, s9  }
0x9: {  	s19 =	simm.s32 $0x0;
	[smem:$0x7FF] =	sst s3;
	s4 =	smul.u32 $0x14000, s0  }
0xa: {  	s26 =	sshll.u32 s9, $0x6;
	s6 =	smul.u32 $0x140000, s0;
	s0 =	ssub.s32 $0x2, s0  }
0xb: {  	_ =	strace $0x80000047;
	s24 =	sshrl.u32 s0, $0x1;
	s25 =	sshrl.u32 s8, $0x2  }
0xc: {  	s4 =	sadd.s32 s5, s4;
	s5 =	sadd.s32 s23, s6;
	s0 =	ssub.s32 s0, s24  }
0xd: {  	s10 =	sadd.s32 s25, s2;
	s23 =	simm.s32 $0x18D80;
	s24 =	simm.s32 $0x18E00  }
0xe: {  	s25 =	simm.s32 $0x18E80;
	s4 =	sshrl.u32 s4, $0x3;
	s6 =	sshrl.u32 s5, $0x3  }
0xf: {  	s5 =	sadd.s32 $0x6400, s1;
	s9 =	smax.u32 s0, $0x1;
	s10 =	sshrl.u32 s10, $0x3  }
0x10: {  	s0 =	simm.s32 $0x19200;
	s7 =	sadd.s32 s4, s1;
	s4 =	sadd.s32 $0x8C00, s1  }
0x11: {  	s1 =	sadd.s32 s6, s1;
	s6 =	sor.u32 $0x1C02, s26;
	s26 =	simm.s32 $0x18F00  }
0x12: {  	s7 =	sadd.s32 $0x1400, s7;
	s8 =	sadd.s32 $0x9400, s1;
	s1 =	simm.s32 $0x19180  }
.LBB2_1:
0x13: {  	[spmem:s10], [sflag:s6] =	dma.local [hbm:s5], $0x2800  }
0x14: {  	_ =	swait.ge [sflag:s11], $0x2800  }
0x15: {  	[sflag:s11] =	ssyncset.done $0x0  }
0x16: {  	[sflag:s11] =	ssyncadd.s32 $0xFFFFD800  }
0x17: {  	[tilespmem:s12], [sflag:$0x2] =	stream.linear.gather [hbm4b:s4+s3], $0x3E80, $0x38;
	[tilespmem:$0x19400] =	vst v63  }
0x18: {  	_ =	swait.ge [sflag:s11], $0x3E80  }
0x19: {  	[sflag:s11] =	ssyncset.done $0x0  }
0x1a: {  	[sflag:s11] =	ssyncadd.s32 $0xFFFFC180  }
0x1b: {  	[tilespmem:s13], [sflag:$0x2] =	stream.linear.gather [hbm4b:s7+s3], $0x1400, $0x38;
	[tilespmem:$0x19400] =	vst v63  }
0x1c: {  	_ =	swait.ge [sflag:s11], $0x1400  }
0x1d: {  	[sflag:s11] =	ssyncset.done $0x0  }
0x1e: {  	[sflag:s11] =	ssyncadd.s32 $0xFFFFEC00  }
0x1f: {  	[bflag:$0x0] =	sbarrier.arrive $0xFFFF  }
0x20: {  	[spmem:s2] =	stream.indirect.scatter.add.f32 [tilespmem:s12], [sflag:$0x1], $0x80, s13, s14, $0xb8;
	[tilespmem:$0x19400] =	vst v63  }
0x21: {  	s20 =	simm.s32 $0x18080  }
0x22: {  	[spmem:s2] =	stream.indirect.scatter.add.f32 [tilespmem:s12], [sflag:$0x1], $0x80, s20, s14, $0xb8;
	[tilespmem:$0x19400] =	vst v63  }
0x23: {  	s20 =	simm.s32 $0x18100  }
0x24: {  	[spmem:s2] =	stream.indirect.scatter.add.f32 [tilespmem:s12], [sflag:$0x1], $0x80, s20, s14, $0xb8;
	[tilespmem:$0x19400] =	vst v63  }
0x25: {  	s20 =	simm.s32 $0x18180  }
0x26: {  	[spmem:s2] =	stream.indirect.scatter.add.f32 [tilespmem:s12], [sflag:$0x1], $0x80, s20, s14, $0xb8;
	[tilespmem:$0x19400] =	vst v63  }
0x27: {  	s20 =	simm.s32 $0x18200  }
0x28: {  	[spmem:s2] =	stream.indirect.scatter.add.f32 [tilespmem:s12], [sflag:$0x1], $0x80, s20, s14, $0xb8;
	[tilespmem:$0x19400] =	vst v63  }
0x29: {  	s20 =	simm.s32 $0x18280  }
0x2a: {  	[spmem:s2] =	stream.indirect.scatter.add.f32 [tilespmem:s12], [sflag:$0x1], $0x80, s20, s14, $0xb8;
	[tilespmem:$0x19400] =	vst v63  }
0x2b: {  	s20 =	simm.s32 $0x18300  }
0x2c: {  	[spmem:s2] =	stream.indirect.scatter.add.f32 [tilespmem:s12], [sflag:$0x1], $0x80, s20, s14, $0xb8;
	[tilespmem:$0x19400] =	vst v63  }
0x2d: {  	s20 =	simm.s32 $0x18380  }
0x2e: {  	[spmem:s2] =	stream.indirect.scatter.add.f32 [tilespmem:s12], [sflag:$0x1], $0x80, s20, s14, $0xb8;
	[tilespmem:$0x19400] =	vst v63  }
0x2f: {  	s20 =	simm.s32 $0x18400  }
0x30: {  	[spmem:s2] =	stream.indirect.scatter.add.f32 [tilespmem:s12], [sflag:$0x1], $0x80, s20, s14, $0xb8;
	[tilespmem:$0x19400] =	vst v63  }
0x31: {  	s20 =	simm.s32 $0x18480  }
0x32: {  	[spmem:s2] =	stream.indirect.scatter.add.f32 [tilespmem:s12], [sflag:$0x1], $0x80, s20, s14, $0xb8;
	[tilespmem:$0x19400] =	vst v63  }
0x33: {  	s20 =	simm.s32 $0x18500  }
0x34: {  	[spmem:s2] =	stream.indirect.scatter.add.f32 [tilespmem:s12], [sflag:$0x1], $0x80, s20, s14, $0xb8;
	[tilespmem:$0x19400] =	vst v63  }
0x35: {  	s20 =	simm.s32 $0x18580  }
0x36: {  	[spmem:s2] =	stream.indirect.scatter.add.f32 [tilespmem:s12], [sflag:$0x1], $0x80, s20, s14, $0xb8;
	[tilespmem:$0x19400] =	vst v63  }
0x37: {  	s20 =	simm.s32 $0x18600  }
0x38: {  	[spmem:s2] =	stream.indirect.scatter.add.f32 [tilespmem:s12], [sflag:$0x1], $0x80, s20, s14, $0xb8;
	[tilespmem:$0x19400] =	vst v63  }
0x39: {  	s20 =	simm.s32 $0x18680  }
0x3a: {  	[spmem:s2] =	stream.indirect.scatter.add.f32 [tilespmem:s12], [sflag:$0x1], $0x80, s20, s14, $0xb8;
	[tilespmem:$0x19400] =	vst v63  }
0x3b: {  	s20 =	simm.s32 $0x18700  }
0x3c: {  	[spmem:s2] =	stream.indirect.scatter.add.f32 [tilespmem:s12], [sflag:$0x1], $0x80, s20, s14, $0xb8;
	[tilespmem:$0x19400] =	vst v63  }
0x3d: {  	s20 =	simm.s32 $0x18780  }
0x3e: {  	[spmem:s2] =	stream.indirect.scatter.add.f32 [tilespmem:s12], [sflag:$0x1], $0x80, s20, s14, $0xb8;
	[tilespmem:$0x19400] =	vst v63  }
0x3f: {  	s20 =	simm.s32 $0x18800  }
0x40: {  	[spmem:s2] =	stream.indirect.scatter.add.f32 [tilespmem:s12], [sflag:$0x1], $0x80, s20, s14, $0xb8;
	[tilespmem:$0x19400] =	vst v63  }
0x41: {  	s20 =	simm.s32 $0x18880  }
0x42: {  	[spmem:s2] =	stream.indirect.scatter.add.f32 [tilespmem:s12], [sflag:$0x1], $0x80, s20, s14, $0xb8;
	[tilespmem:$0x19400] =	vst v63  }
0x43: {  	s20 =	simm.s32 $0x18900  }
0x44: {  	[spmem:s2] =	stream.indirect.scatter.add.f32 [tilespmem:s12], [sflag:$0x1], $0x80, s20, s14, $0xb8;
	[tilespmem:$0x19400] =	vst v63  }
0x45: {  	s20 =	simm.s32 $0x18980  }
0x46: {  	[spmem:s2] =	stream.indirect.scatter.add.f32 [tilespmem:s12], [sflag:$0x1], $0x80, s20, s14, $0xb8;
	[tilespmem:$0x19400] =	vst v63  }
0x47: {  	s20 =	simm.s32 $0x18A00  }
0x48: {  	[spmem:s2] =	stream.indirect.scatter.add.f32 [tilespmem:s12], [sflag:$0x1], $0x80, s20, s14, $0xb8;
	[tilespmem:$0x19400] =	vst v63  }
0x49: {  	s20 =	simm.s32 $0x18A80  }
0x4a: {  	[spmem:s2] =	stream.indirect.scatter.add.f32 [tilespmem:s12], [sflag:$0x1], $0x80, s20, s14, $0xb8;
	[tilespmem:$0x19400] =	vst v63  }
0x4b: {  	s20 =	simm.s32 $0x18B00  }
0x4c: {  	[spmem:s2] =	stream.indirect.scatter.add.f32 [tilespmem:s12], [sflag:$0x1], $0x80, s20, s14, $0xb8;
	[tilespmem:$0x19400] =	vst v63  }
0x4d: {  	s20 =	simm.s32 $0x18B80  }
0x4e: {  	[spmem:s2] =	stream.indirect.scatter.add.f32 [tilespmem:s12], [sflag:$0x1], $0x80, s20, s14, $0xb8;
	[tilespmem:$0x19400] =	vst v63  }
0x4f: {  	s20 =	simm.s32 $0x18C00  }
0x50: {  	[spmem:s2] =	stream.indirect.scatter.add.f32 [tilespmem:s12], [sflag:$0x1], $0x80, s20, s14, $0xb8;
	[tilespmem:$0x19400] =	vst v63  }
0x51: {  	_ = 	snop  }
0x52: {  	[spmem:s2] =	stream.indirect.scatter.add.f32 [tilespmem:s12], [sflag:$0x1], $0x80, s21, s14, $0xb8;
	[tilespmem:$0x19400] =	vst v63  }
0x53: {  	_ = 	snop  }
0x54: {  	[spmem:s2] =	stream.indirect.scatter.add.f32 [tilespmem:s12], [sflag:$0x1], $0x80, s22, s14, $0xb8;
	[tilespmem:$0x19400] =	vst v63  }
0x55: {  	_ = 	snop  }
0x56: {  	[spmem:s2] =	stream.indirect.scatter.add.f32 [tilespmem:s12], [sflag:$0x1], $0x80, s23, s14, $0xb8;
	[tilespmem:$0x19400] =	vst v63  }
0x57: {  	_ = 	snop  }
0x58: {  	[spmem:s2] =	stream.indirect.scatter.add.f32 [tilespmem:s12], [sflag:$0x1], $0x80, s24, s14, $0xb8;
	[tilespmem:$0x19400] =	vst v63  }
0x59: {  	_ = 	snop  }
0x5a: {  	[spmem:s2] =	stream.indirect.scatter.add.f32 [tilespmem:s12], [sflag:$0x1], $0x80, s25, s14, $0xb8;
	[tilespmem:$0x19400] =	vst v63  }
0x5b: {  	_ = 	snop  }
0x5c: {  	[spmem:s2] =	stream.indirect.scatter.add.f32 [tilespmem:s12], [sflag:$0x1], $0x80, s26, s14, $0xb8;
	[tilespmem:$0x19400] =	vst v63  }
0x5d: {  	_ = 	snop  }
0x5e: {  	[spmem:s2] =	stream.indirect.scatter.add.f32 [tilespmem:s12], [sflag:$0x1], $0x80, s28, s14, $0xb8;
	[tilespmem:$0x19400] =	vst v63  }
0x5f: {  	_ = 	snop  }
0x60: {  	[spmem:s2] =	stream.indirect.scatter.add.f32 [tilespmem:s12], [sflag:$0x1], $0x80, s29, s14, $0xb8;
	[tilespmem:$0x19400] =	vst v63  }
0x61: {  	_ = 	snop  }
0x62: {  	[spmem:s2] =	stream.indirect.scatter.add.f32 [tilespmem:s12], [sflag:$0x1], $0x80, s30, s14, $0xb8;
	[tilespmem:$0x19400] =	vst v63  }
0x63: {  	_ = 	snop  }
0x64: {  	[spmem:s2] =	stream.indirect.scatter.add.f32 [tilespmem:s12], [sflag:$0x1], $0x80, s31, s14, $0xb8;
	[tilespmem:$0x19400] =	vst v63  }
0x65: {  	_ = 	snop  }
0x66: {  	[spmem:s2] =	stream.indirect.scatter.add.f32 [tilespmem:s12], [sflag:$0x1], $0x80, s1, s14, $0xb8;
	[tilespmem:$0x19400] =	vst v63  }
0x67: {  	_ = 	snop  }
0x68: {  	[spmem:s2] =	stream.indirect.scatter.add.f32 [tilespmem:s12], [sflag:$0x1], $0x80, s0, s14, $0xb8;
	[tilespmem:$0x19400] =	vst v63  }
0x69: {  	_ = 	snop  }
0x6a: {  	[spmem:s2] =	stream.indirect.scatter.add.f32 [tilespmem:s12], [sflag:$0x1], $0x80, s15, s14, $0xb8;
	[tilespmem:$0x19400] =	vst v63  }
0x6b: {  	_ = 	snop  }
0x6c: {  	[spmem:s2] =	stream.indirect.scatter.add.f32 [tilespmem:s12], [sflag:$0x1], $0x80, s16, s14, $0xb8;
	[tilespmem:$0x19400] =	vst v63  }
0x6d: {  	_ = 	snop  }
0x6e: {  	[spmem:s2] =	stream.indirect.scatter.add.f32 [tilespmem:s12], [sflag:$0x1], $0x80, s17, s14, $0xb8;
	[tilespmem:$0x19400] =	vst v63  }
0x6f: {  	_ =	swait.ge [sflag:s18], $0x3E80  }
0x70: {  	s20 =	simm.s32 $0x27;
	[sflag:s18] =	ssyncset.done $0x0  }
.LBB2_2:
0x71: {  	p0 =	sne.s32 s20, $0x1;
	s20 =	sadd.s32 $0xFFFFFFFF, s20;
	[sflag:s18] =	ssyncadd.s32 $0xFFFFC180  }
.Ltmp0:
0x72: {  	(pc) =	sbr.rel @p0 .LBB2_2-.Ltmp0, $3  }
0x73: {  	_ =	sdelay $0x1  }
0x74: {  	_ =	swait.ge [sflag:s18], $0x3E80  }
0x75: {  	[sflag:s18] =	ssyncset.done $0x0  }
0x76: {  	s19 =	sadd.s32 $0x1, s19  }
0x77: {  	[sflag:s18] =	ssyncadd.s32 $0xFFFFC180;
	p0 =	sne.s32 s19, s9  }
.Ltmp1:
0x78: {  	[bflag:$0x0] =	sbarrier.arrive $0xFFFF;
	(pc) =	sbr.rel @p0 .LBB2_1-.Ltmp1, $4  }
0x79: {  	[hbm:s8], [sflag:s6] =	dma.local [spmem:s10], $0x2800  }
0x7a: {  	_ =	swait.ge [sflag:s11], $0x2800  }
0x7b: {  	[sflag:s11] =	ssyncset.done $0x0  }
0x7c: {  	[sflag:s11] =	ssyncadd.s32 $0xFFFFD800  }
0x7d: {  	_ =	sfence.sel $0x180000  }
0x7e: {  	[bflag:$0x0] =	sbarrier.arrive $0xFFFF  }
0x7f: {  	_ =	strace $0x90000047  }
0x80: {  	s0 =	stileid.u32;
	[bflag:$0x2] =	sbarrier.arrive $0xFFFF  }
0x81: {  	p0 =	sne.s32 s0, $0x0;
	s0 =	rddreg [dreg:$0x2]  }
0x82: {  	s0 =	sadd.s32 @!p0 $0x100000, s0  }
0x83: {  	[sflag:s0] =	ssyncadd.tile.s32 @!p0 $0x1;
	_ =	shalt  }
.Lfunc_end2:
_tile_overlayer_lowered:
.L_overlay_start_2:
0x84: {  	(tag) =	ssettag $0x2  }
0x85: {  	s0 =	rddreg [dreg:$0x0];
	s2 =	stileid.u32  }
0x86: {  	s1 =	rddreg [dreg:$0x1];
	p0 =	sne.s32 s2, $0x0  }
0x87: {  	s3 =	rddreg [dreg:$0x2];
	[bflag:$0x3] =	sbarrier.arrive $0xFFFF;
	s2 =	simm.s32 @!p0 $0x1C02  }
0x88: {  	[timem:s3], [sflag:s2] =	dma.local @!p0 [hbm:s0], s1  }
0x89: {  	s0 =	simm.s32 @!p0 $0x2  }
0x8a: {  	_ =	swait.ge @!p0 [sflag:s0], s1  }
0x8b: {  	s1 =	ssub.s32 @!p0 $0x0, s1;
	[sflag:s0] =	ssyncset.done @!p0 $0x0  }
0x8c: {  	[sflag:s0] =	ssyncadd.s32 @!p0 s1  }
0x8d: {  	[bflag:$0x3] =	sbarrier.arrive $0xFFFF  }
0x8e: {  	_ =	shalt  }

</sc_bundles>
